<compile_context>
chip_gen: v7x
topology: tpu7x:2x2x1
jax: 0.10.2.dev20260603
libtpu: 0.0.44.dev20260713+nightly
codegen_flags: <defaults>
</compile_context>

<pallas_src>
import functools

import jax
import jax.numpy as jnp
from jax import lax
from jax.experimental import pallas as pl
from jax.experimental.pallas import tpu as pltpu
from jax.experimental.pallas import tpu_sc as plsc

FG_THRESHOLD = 0.5


def _tc_body(roist_ref, gt_ref, labels_ref, gidx_ref, *, nb, tp, m):
    miota = jax.lax.broadcasted_iota(jnp.int32, (m, tp), 0)
    for b in range(nb):
        g = gt_ref[b]
        rt = roist_ref[b]
        inter = None
        va = None
        vb = None
        for c in range(3):
            blo = rt[1 + c : 2 + c, :]
            bhi = rt[4 + c : 5 + c, :]
            glo = g[:, c : c + 1]
            ghi = g[:, 3 + c : 4 + c]
            d = jnp.maximum(jnp.minimum(bhi, ghi) - jnp.maximum(blo, glo), 0.0)
            inter = d if inter is None else inter * d
            sa = jnp.maximum(bhi - blo, 0.0)
            va = sa if va is None else va * sa
            sb = jnp.maximum(ghi - glo, 0.0)
            vb = sb if vb is None else vb * sb
        union = va + vb - inter
        iou = inter / union
        mx = jnp.max(iou, axis=0, keepdims=True)
        labels_ref[b] = (mx[0] >= FG_THRESHOLD).astype(jnp.int32)
        sel = jnp.where(iou == mx, miota, m)
        gidx_ref[b] = jnp.min(sel, axis=0) + b * m


def _make_sc_gather(total, per, tab_words):
    mesh = plsc.VectorSubcoreMesh(core_axis_name="c", subcore_axis_name="s")
    info = plsc.get_sparse_core_info()
    nc = info.num_cores
    lanes = info.num_lanes

    @functools.partial(
        pl.kernel,
        mesh=mesh,
        out_type=jax.ShapeDtypeStruct((total * 6,), jnp.float32),
        scratch_types=[
            pltpu.VMEM((per,), jnp.int32),
            pltpu.VMEM((per * 6,), jnp.float32),
            pltpu.VMEM((tab_words,), jnp.float32),
        ],
        compiler_params=pltpu.CompilerParams(
            use_tc_tiling_on_sc=False, needs_layout_passes=False
        ),
    )
    def sc_gather(table_hbm, idx_hbm, out_hbm, idx_v, rows_v, tab_v):
        wid = lax.axis_index("s") * nc + lax.axis_index("c")
        base = jnp.minimum(wid * per, total - per)
        pltpu.sync_copy(table_hbm, tab_v)
        pltpu.sync_copy(idx_hbm.at[pl.ds(base, per)], idx_v)
        lane_iota = jax.lax.iota(jnp.int32, lanes)

        def body(i, carry):
            j0 = i * lanes
            addr = idx_v[pl.ds(j0, lanes)] * 6
            dst = lane_iota + j0
            for c in range(6):
                vals = plsc.load_gather(tab_v, [addr + c])
                plsc.store_scatter(rows_v, [dst + c * per], vals)
            return carry

        lax.fori_loop(0, per // lanes, body, 0)
        for c in range(6):
            pltpu.sync_copy(
                rows_v.at[pl.ds(c * per, per)],
                out_hbm.at[pl.ds(c * total + base, per)],
            )

    return sc_gather


def kernel(all_rois, gt_boxes, gt_labels, is_sample):
    nb, n, _ = all_rois.shape
    m = gt_boxes.shape[1]
    tp = 2048
    rois_t = jnp.swapaxes(all_rois, 1, 2)
    labels, gidx = pl.pallas_call(
        functools.partial(_tc_body, nb=nb, tp=tp, m=m),
        grid=(pl.cdiv(n, tp),),
        in_specs=[
            pl.BlockSpec((nb, 7, tp), lambda i: (0, 0, i)),
            pl.BlockSpec((nb, m, 6), lambda i: (0, 0, 0)),
        ],
        out_specs=[
            pl.BlockSpec((nb, tp), lambda i: (0, i)),
            pl.BlockSpec((nb, tp), lambda i: (0, i)),
        ],
        out_shape=[
            jax.ShapeDtypeStruct((nb, n), jnp.int32),
            jax.ShapeDtypeStruct((nb, n), jnp.int32),
        ],
        compiler_params=pltpu.CompilerParams(
            dimension_semantics=("arbitrary",),
        ),
    )(rois_t, gt_boxes)

    total = nb * n
    info = plsc.get_sparse_core_info()
    nw = info.num_cores * info.num_subcores
    lanes = info.num_lanes
    per = ((total + nw - 1) // nw + lanes - 1) // lanes * lanes
    table = gt_boxes.reshape(nb * m * 6)
    gathered = _make_sc_gather(total, per, nb * m * 6)(
        table, gidx.reshape(total)
    )
    gt_rois = jnp.transpose(gathered.reshape(6, nb, n), (1, 2, 0))
    return labels, all_rois, gt_rois

# --- scband reference (transcript-rebuilt; emitter-appended) ---
"""Pipeline reference for scband-proposal-target-layer-61151744360592 (READ-ONLY COPY).

The authoritative reference and input builder live on the scoring server;
editing this copy changes nothing except your own understanding.
"""

import jax, jax.numpy as jnp
import numpy as np

B, N, M = 4, 20000, 128
FG_THRESHOLD = 0.5


def batched_box_iou(boxes, gt):
    # boxes: [B, N, 6], gt: [B, M, 6]; corner format [x1,y1,z1,x2,y2,z2]
    lt = jnp.maximum(boxes[:, :, None, :3], gt[:, None, :, :3])
    rb = jnp.minimum(boxes[:, :, None, 3:6], gt[:, None, :, 3:6])
    inter = jnp.clip(rb - lt, 0.0, None).prod(-1)  # [B, N, M]
    va = jnp.clip(boxes[..., 3:6] - boxes[..., :3], 0.0, None).prod(-1)  # [B, N]
    vb = jnp.clip(gt[..., 3:6] - gt[..., :3], 0.0, None).prod(-1)  # [B, M]
    union = va[:, :, None] + vb[:, None, :] - inter
    return inter / jnp.maximum(union, 1e-9)


def setup_inputs(seed: int = 0) -> dict:
    key = jax.random.key(seed)
    k1, k2, k3, k4, k5 = jax.random.split(key, 5)
    # valid 3D boxes: min corner + positive extent
    mins = jax.random.uniform(k1, (B, N, 3), dtype=jnp.float32) * 10.0
    sizes = jax.random.uniform(k2, (B, N, 3), dtype=jnp.float32) * 2.0 + 0.1
    rois6 = jnp.concatenate([mins, mins + sizes], axis=-1)
    all_rois = jnp.concatenate([jnp.zeros((B, N, 1), jnp.float32), rois6], axis=-1)  # [B, N, 7]
    gmins = jax.random.uniform(k3, (B, M, 3), dtype=jnp.float32) * 10.0
    gsizes = jax.random.uniform(k4, (B, M, 3), dtype=jnp.float32) * 2.0 + 0.1
    gt_boxes = jnp.concatenate([gmins, gmins + gsizes], axis=-1)  # [B, M, 6]
    gt_labels = jax.random.randint(k5, (B, M), 0, 4)
    return {"all_rois": all_rois, "gt_boxes": gt_boxes, "gt_labels": gt_labels, "is_sample": False}


def reference(all_rois, gt_boxes, gt_labels, is_sample):
    # is_sample=False path of ProposalTargetLayer._sample_rois_pytorch (deterministic)
    overlaps = batched_box_iou(all_rois[..., 1:], gt_boxes)  # [B, N, M]
    max_overlaps = jnp.max(overlaps, axis=-1)  # [B, N]
    gt_assignment = jnp.argmax(overlaps, axis=-1)  # [B, N]
    # labels_batch: zeros with 1 at fg proposals (max_overlaps >= fg_threshold)
    labels_batch = (max_overlaps >= FG_THRESHOLD).astype(jnp.int32)  # [B, N]
    rois_batch = all_rois  # [B, N, 7]
    # gt_rois_batch[i] = gt_boxes[i][gt_assignment[i]] -> gather along GT axis
    gt_rois_batch = jnp.take_along_axis(gt_boxes, gt_assignment[..., None], axis=1)  # [B, N, 6]
    return labels_batch, rois_batch, gt_rois_batch

if __name__ == "__main__":
    import jax
    _d = setup_inputs()
    print(jax.jit(kernel)(*tuple(_d.values())))

</pallas_src>

<mosaic_0001>
#map = affine_map<(d0, d1) -> (0)>
module attributes {stable_mosaic.version = 14 : i64} {
  func.func @sc_gather(%arg0: i32, %arg1: i32, %arg2: memref<3072xf32, #tpu.memory_space<hbm>>, %arg3: memref<80000xi32, #tpu.memory_space<hbm>>, %arg4: memref<480000xf32, #tpu.memory_space<hbm>>, %arg5: memref<2512xi32, #tpu.memory_space<vmem>>, %arg6: memref<15072xf32, #tpu.memory_space<vmem>>, %arg7: memref<3072xf32, #tpu.memory_space<vmem>>) attributes {dimension_semantics = [#tpu.dimension_semantics<core_parallel>, #tpu.dimension_semantics<subcore_parallel>], iteration_bounds = array<i64: 2, 16>, scalar_prefetch = 0 : i64, scratch_operands = 3 : i64, tpu.core_type = #tpu.core_type<sc_vector_subcore>, window_params = [{transform_indices = #map}, {transform_indices = #map}, {transform_indices = #map}]} {
    %mul3A = arith.constant 2 : i32
    %mul3A_0 = arith.muli %arg1, %mul3A : i32
    %add3A = arith.addi %mul3A_0, %arg0 : i32
    %mul3A_1 = arith.constant 2512 : i32
    %mul3A_2 = arith.muli %add3A, %mul3A_1 : i32
    %min3A = arith.constant 77488 : i32
    %min3A_3 = arith.minsi %mul3A_2, %min3A : i32
    "tpu.region"() ({
      %run_scoped3A = tpu.sem_alloc : memref<!tpu.dma_semaphore, #tpu.memory_space<semaphore_mem>>
      tpu.enqueue_dma source(%arg2 : memref<3072xf32, #tpu.memory_space<hbm>>) target(%arg7 : memref<3072xf32, #tpu.memory_space<vmem>>) target_semaphore(%run_scoped3A : memref<!tpu.dma_semaphore, #tpu.memory_space<semaphore_mem>>)
      tpu.wait_dma2 semaphore(%run_scoped3A : memref<!tpu.dma_semaphore, #tpu.memory_space<semaphore_mem>>) src(%arg2 : memref<3072xf32, #tpu.memory_space<hbm>>) dst(%arg7 : memref<3072xf32, #tpu.memory_space<vmem>>)
      tpu.yield
    }) : () -> ()
    "tpu.region"() ({
      %run_scoped3A = tpu.sem_alloc : memref<!tpu.dma_semaphore, #tpu.memory_space<semaphore_mem>>
      %dma_start3A = tpu.memref_slice %arg3[%min3A_3] : memref<80000xi32, #tpu.memory_space<hbm>> -> memref<2512xi32, #tpu.memory_space<hbm>>
      %dma_start3A_21 = tpu.memref_slice %arg3[%min3A_3] : memref<80000xi32, #tpu.memory_space<hbm>> -> memref<2512xi32, #tpu.memory_space<hbm>>
      tpu.enqueue_dma source(%dma_start3A_21 : memref<2512xi32, #tpu.memory_space<hbm>>) target(%arg5 : memref<2512xi32, #tpu.memory_space<vmem>>) target_semaphore(%run_scoped3A : memref<!tpu.dma_semaphore, #tpu.memory_space<semaphore_mem>>)
      %dma_wait3A = tpu.memref_slice %arg3[%min3A_3] : memref<80000xi32, #tpu.memory_space<hbm>> -> memref<2512xi32, #tpu.memory_space<hbm>>
      %dma_wait3A_22 = tpu.memref_slice %arg3[%min3A_3] : memref<80000xi32, #tpu.memory_space<hbm>> -> memref<2512xi32, #tpu.memory_space<hbm>>
      tpu.wait_dma2 semaphore(%run_scoped3A : memref<!tpu.dma_semaphore, #tpu.memory_space<semaphore_mem>>) src(%dma_wait3A_22 : memref<2512xi32, #tpu.memory_space<hbm>>) dst(%arg5 : memref<2512xi32, #tpu.memory_space<vmem>>)
      tpu.yield
    }) : () -> ()
    %iota3A = tpu.iota {dimensions = array<i32: 0>} : vector<16xi32>
    %scan3A = arith.constant 0 : i32
    %scan3A_4 = arith.constant 0 : i32
    %scan3A_5 = arith.constant 157 : i32
    %scan3A_6 = arith.addi %scan3A_4, %scan3A_5 : i32
    %scan3A_7 = arith.constant 1 : i32
    scf.for %scan3A_21 = %scan3A_4 to %scan3A_6 step %scan3A_7  : i32 {
      %mul3A_22 = arith.constant 16 : i32
      %mul3A_23 = arith.muli %scan3A_21, %mul3A_22 : i32
      %get3A = arith.index_cast %mul3A_23 : i32 to index
      %get3A_24 = tpu.vector_load %arg5[%get3A] {strides = array<i32>} : memref<2512xi32, #tpu.memory_space<vmem>>, vector<16xi32>,
      %mul3A_25 = arith.constant 6 : i32
      %mul3A_26 = vector.broadcast %mul3A_25 : i32 to vector<16xi32>
      %mul3A_27 = arith.muli %get3A_24, %mul3A_26 : vector<16xi32>
      %add3A_28 = vector.broadcast %mul3A_23 : i32 to vector<16xi32>
      %add3A_29 = arith.addi %iota3A, %add3A_28 : vector<16xi32>
      %add3A_30 = arith.constant 0 : i32
      %add3A_31 = vector.broadcast %add3A_30 : i32 to vector<16xi32>
      %add3A_32 = arith.addi %mul3A_27, %add3A_31 : vector<16xi32>
      %gather3A = tpu.vector_load_idx %arg7[%add3A_32] : memref<3072xf32, #tpu.memory_space<vmem>>[vector<16xi32>], vector<16xf32>,
      %add3A_33 = arith.constant 0 : i32
      %add3A_34 = vector.broadcast %add3A_33 : i32 to vector<16xi32>
      %add3A_35 = arith.addi %add3A_29, %add3A_34 : vector<16xi32>
      tpu.vector_store_idx %arg6[%add3A_35], %gather3A : memref<15072xf32, #tpu.memory_space<vmem>>[vector<16xi32>], vector<16xf32>,
      %add3A_36 = arith.constant 1 : i32
      %add3A_37 = vector.broadcast %add3A_36 : i32 to vector<16xi32>
      %add3A_38 = arith.addi %mul3A_27, %add3A_37 : vector<16xi32>
      %gather3A_39 = tpu.vector_load_idx %arg7[%add3A_38] : memref<3072xf32, #tpu.memory_space<vmem>>[vector<16xi32>], vector<16xf32>,
      %add3A_40 = arith.constant 2512 : i32
      %add3A_41 = vector.broadcast %add3A_40 : i32 to vector<16xi32>
      %add3A_42 = arith.addi %add3A_29, %add3A_41 : vector<16xi32>
      tpu.vector_store_idx %arg6[%add3A_42], %gather3A_39 : memref<15072xf32, #tpu.memory_space<vmem>>[vector<16xi32>], vector<16xf32>,
      %add3A_43 = arith.constant 2 : i32
      %add3A_44 = vector.broadcast %add3A_43 : i32 to vector<16xi32>
      %add3A_45 = arith.addi %mul3A_27, %add3A_44 : vector<16xi32>
      %gather3A_46 = tpu.vector_load_idx %arg7[%add3A_45] : memref<3072xf32, #tpu.memory_space<vmem>>[vector<16xi32>], vector<16xf32>,
      %add3A_47 = arith.constant 5024 : i32
      %add3A_48 = vector.broadcast %add3A_47 : i32 to vector<16xi32>
      %add3A_49 = arith.addi %add3A_29, %add3A_48 : vector<16xi32>
      tpu.vector_store_idx %arg6[%add3A_49], %gather3A_46 : memref<15072xf32, #tpu.memory_space<vmem>>[vector<16xi32>], vector<16xf32>,
      %add3A_50 = arith.constant 3 : i32
      %add3A_51 = vector.broadcast %add3A_50 : i32 to vector<16xi32>
      %add3A_52 = arith.addi %mul3A_27, %add3A_51 : vector<16xi32>
      %gather3A_53 = tpu.vector_load_idx %arg7[%add3A_52] : memref<3072xf32, #tpu.memory_space<vmem>>[vector<16xi32>], vector<16xf32>,
      %add3A_54 = arith.constant 7536 : i32
      %add3A_55 = vector.broadcast %add3A_54 : i32 to vector<16xi32>
      %add3A_56 = arith.addi %add3A_29, %add3A_55 : vector<16xi32>
      tpu.vector_store_idx %arg6[%add3A_56], %gather3A_53 : memref<15072xf32, #tpu.memory_space<vmem>>[vector<16xi32>], vector<16xf32>,
      %add3A_57 = arith.constant 4 : i32
      %add3A_58 = vector.broadcast %add3A_57 : i32 to vector<16xi32>
      %add3A_59 = arith.addi %mul3A_27, %add3A_58 : vector<16xi32>
      %gather3A_60 = tpu.vector_load_idx %arg7[%add3A_59] : memref<3072xf32, #tpu.memory_space<vmem>>[vector<16xi32>], vector<16xf32>,
      %add3A_61 = arith.constant 10048 : i32
      %add3A_62 = vector.broadcast %add3A_61 : i32 to vector<16xi32>
      %add3A_63 = arith.addi %add3A_29, %add3A_62 : vector<16xi32>
      tpu.vector_store_idx %arg6[%add3A_63], %gather3A_60 : memref<15072xf32, #tpu.memory_space<vmem>>[vector<16xi32>], vector<16xf32>,
      %add3A_64 = arith.constant 5 : i32
      %add3A_65 = vector.broadcast %add3A_64 : i32 to vector<16xi32>
      %add3A_66 = arith.addi %mul3A_27, %add3A_65 : vector<16xi32>
      %gather3A_67 = tpu.vector_load_idx %arg7[%add3A_66] : memref<3072xf32, #tpu.memory_space<vmem>>[vector<16xi32>], vector<16xf32>,
      %add3A_68 = arith.constant 12560 : i32
      %add3A_69 = vector.broadcast %add3A_68 : i32 to vector<16xi32>
      %add3A_70 = arith.addi %add3A_29, %add3A_69 : vector<16xi32>
      tpu.vector_store_idx %arg6[%add3A_70], %gather3A_67 : memref<15072xf32, #tpu.memory_space<vmem>>[vector<16xi32>], vector<16xf32>,
    }
    %scan3A_8 = arith.constant 157 : i32
    %add3A_9 = arith.constant 0 : i32
    %add3A_10 = arith.addi %add3A_9, %min3A_3 : i32
    "tpu.region"() ({
      %run_scoped3A = tpu.sem_alloc : memref<!tpu.dma_semaphore, #tpu.memory_space<semaphore_mem>>
      %dma_start3A = arith.constant 0 : i32
      %dma_start3A_21 = tpu.memref_slice %arg6[%dma_start3A] : memref<15072xf32, #tpu.memory_space<vmem>> -> memref<2512xf32, #tpu.memory_space<vmem>>
      %dma_start3A_22 = tpu.memref_slice %arg4[%add3A_10] : memref<480000xf32, #tpu.memory_space<hbm>> -> memref<2512xf32, #tpu.memory_space<hbm>>
      %dma_start3A_23 = tpu.memref_slice %arg4[%add3A_10] : memref<480000xf32, #tpu.memory_space<hbm>> -> memref<2512xf32, #tpu.memory_space<hbm>>
      %dma_start3A_24 = arith.constant 0 : i32
      %dma_start3A_25 = tpu.memref_slice %arg6[%dma_start3A_24] : memref<15072xf32, #tpu.memory_space<vmem>> -> memref<2512xf32, #tpu.memory_space<vmem>>
      tpu.enqueue_dma source(%dma_start3A_25 : memref<2512xf32, #tpu.memory_space<vmem>>) target(%dma_start3A_23 : memref<2512xf32, #tpu.memory_space<hbm>>) target_semaphore(%run_scoped3A : memref<!tpu.dma_semaphore, #tpu.memory_space<semaphore_mem>>)
      %dma_wait3A = arith.constant 0 : i32
      %dma_wait3A_26 = tpu.memref_slice %arg6[%dma_wait3A] : memref<15072xf32, #tpu.memory_space<vmem>> -> memref<2512xf32, #tpu.memory_space<vmem>>
      %dma_wait3A_27 = tpu.memref_slice %arg4[%add3A_10] : memref<480000xf32, #tpu.memory_space<hbm>> -> memref<2512xf32, #tpu.memory_space<hbm>>
      %dma_wait3A_28 = tpu.memref_slice %arg4[%add3A_10] : memref<480000xf32, #tpu.memory_space<hbm>> -> memref<2512xf32, #tpu.memory_space<hbm>>
      %dma_wait3A_29 = arith.constant 0 : i32
      %dma_wait3A_30 = tpu.memref_slice %arg6[%dma_wait3A_29] : memref<15072xf32, #tpu.memory_space<vmem>> -> memref<2512xf32, #tpu.memory_space<vmem>>
      tpu.wait_dma2 semaphore(%run_scoped3A : memref<!tpu.dma_semaphore, #tpu.memory_space<semaphore_mem>>) src(%dma_wait3A_30 : memref<2512xf32, #tpu.memory_space<vmem>>) dst(%dma_wait3A_28 : memref<2512xf32, #tpu.memory_space<hbm>>)
      tpu.yield
    }) : () -> ()
    %add3A_11 = arith.constant 80000 : i32
    %add3A_12 = arith.addi %add3A_11, %min3A_3 : i32
    "tpu.region"() ({
      %run_scoped3A = tpu.sem_alloc : memref<!tpu.dma_semaphore, #tpu.memory_space<semaphore_mem>>
      %dma_start3A = arith.constant 2512 : i32
      %dma_start3A_21 = tpu.memref_slice %arg6[%dma_start3A] : memref<15072xf32, #tpu.memory_space<vmem>> -> memref<2512xf32, #tpu.memory_space<vmem>>
      %dma_start3A_22 = tpu.memref_slice %arg4[%add3A_12] : memref<480000xf32, #tpu.memory_space<hbm>> -> memref<2512xf32, #tpu.memory_space<hbm>>
      %dma_start3A_23 = tpu.memref_slice %arg4[%add3A_12] : memref<480000xf32, #tpu.memory_space<hbm>> -> memref<2512xf32, #tpu.memory_space<hbm>>
      %dma_start3A_24 = arith.constant 2512 : i32
      %dma_start3A_25 = tpu.memref_slice %arg6[%dma_start3A_24] : memref<15072xf32, #tpu.memory_space<vmem>> -> memref<2512xf32, #tpu.memory_space<vmem>>
      tpu.enqueue_dma source(%dma_start3A_25 : memref<2512xf32, #tpu.memory_space<vmem>>) target(%dma_start3A_23 : memref<2512xf32, #tpu.memory_space<hbm>>) target_semaphore(%run_scoped3A : memref<!tpu.dma_semaphore, #tpu.memory_space<semaphore_mem>>)
      %dma_wait3A = arith.constant 2512 : i32
      %dma_wait3A_26 = tpu.memref_slice %arg6[%dma_wait3A] : memref<15072xf32, #tpu.memory_space<vmem>> -> memref<2512xf32, #tpu.memory_space<vmem>>
      %dma_wait3A_27 = tpu.memref_slice %arg4[%add3A_12] : memref<480000xf32, #tpu.memory_space<hbm>> -> memref<2512xf32, #tpu.memory_space<hbm>>
      %dma_wait3A_28 = tpu.memref_slice %arg4[%add3A_12] : memref<480000xf32, #tpu.memory_space<hbm>> -> memref<2512xf32, #tpu.memory_space<hbm>>
      %dma_wait3A_29 = arith.constant 2512 : i32
      %dma_wait3A_30 = tpu.memref_slice %arg6[%dma_wait3A_29] : memref<15072xf32, #tpu.memory_space<vmem>> -> memref<2512xf32, #tpu.memory_space<vmem>>
      tpu.wait_dma2 semaphore(%run_scoped3A : memref<!tpu.dma_semaphore, #tpu.memory_space<semaphore_mem>>) src(%dma_wait3A_30 : memref<2512xf32, #tpu.memory_space<vmem>>) dst(%dma_wait3A_28 : memref<2512xf32, #tpu.memory_space<hbm>>)
      tpu.yield
    }) : () -> ()
    %add3A_13 = arith.constant 160000 : i32
    %add3A_14 = arith.addi %add3A_13, %min3A_3 : i32
    "tpu.region"() ({
      %run_scoped3A = tpu.sem_alloc : memref<!tpu.dma_semaphore, #tpu.memory_space<semaphore_mem>>
      %dma_start3A = arith.constant 5024 : i32
      %dma_start3A_21 = tpu.memref_slice %arg6[%dma_start3A] : memref<15072xf32, #tpu.memory_space<vmem>> -> memref<2512xf32, #tpu.memory_space<vmem>>
      %dma_start3A_22 = tpu.memref_slice %arg4[%add3A_14] : memref<480000xf32, #tpu.memory_space<hbm>> -> memref<2512xf32, #tpu.memory_space<hbm>>
      %dma_start3A_23 = tpu.memref_slice %arg4[%add3A_14] : memref<480000xf32, #tpu.memory_space<hbm>> -> memref<2512xf32, #tpu.memory_space<hbm>>
      %dma_start3A_24 = arith.constant 5024 : i32
      %dma_start3A_25 = tpu.memref_slice %arg6[%dma_start3A_24] : memref<15072xf32, #tpu.memory_space<vmem>> -> memref<2512xf32, #tpu.memory_space<vmem>>
      tpu.enqueue_dma source(%dma_start3A_25 : memref<2512xf32, #tpu.memory_space<vmem>>) target(%dma_start3A_23 : memref<2512xf32, #tpu.memory_space<hbm>>) target_semaphore(%run_scoped3A : memref<!tpu.dma_semaphore, #tpu.memory_space<semaphore_mem>>)
      %dma_wait3A = arith.constant 5024 : i32
      %dma_wait3A_26 = tpu.memref_slice %arg6[%dma_wait3A] : memref<15072xf32, #tpu.memory_space<vmem>> -> memref<2512xf32, #tpu.memory_space<vmem>>
      %dma_wait3A_27 = tpu.memref_slice %arg4[%add3A_14] : memref<480000xf32, #tpu.memory_space<hbm>> -> memref<2512xf32, #tpu.memory_space<hbm>>
      %dma_wait3A_28 = tpu.memref_slice %arg4[%add3A_14] : memref<480000xf32, #tpu.memory_space<hbm>> -> memref<2512xf32, #tpu.memory_space<hbm>>
      %dma_wait3A_29 = arith.constant 5024 : i32
      %dma_wait3A_30 = tpu.memref_slice %arg6[%dma_wait3A_29] : memref<15072xf32, #tpu.memory_space<vmem>> -> memref<2512xf32, #tpu.memory_space<vmem>>
      tpu.wait_dma2 semaphore(%run_scoped3A : memref<!tpu.dma_semaphore, #tpu.memory_space<semaphore_mem>>) src(%dma_wait3A_30 : memref<2512xf32, #tpu.memory_space<vmem>>) dst(%dma_wait3A_28 : memref<2512xf32, #tpu.memory_space<hbm>>)
      tpu.yield
    }) : () -> ()
    %add3A_15 = arith.constant 240000 : i32
    %add3A_16 = arith.addi %add3A_15, %min3A_3 : i32
    "tpu.region"() ({
      %run_scoped3A = tpu.sem_alloc : memref<!tpu.dma_semaphore, #tpu.memory_space<semaphore_mem>>
      %dma_start3A = arith.constant 7536 : i32
      %dma_start3A_21 = tpu.memref_slice %arg6[%dma_start3A] : memref<15072xf32, #tpu.memory_space<vmem>> -> memref<2512xf32, #tpu.memory_space<vmem>>
      %dma_start3A_22 = tpu.memref_slice %arg4[%add3A_16] : memref<480000xf32, #tpu.memory_space<hbm>> -> memref<2512xf32, #tpu.memory_space<hbm>>
      %dma_start3A_23 = tpu.memref_slice %arg4[%add3A_16] : memref<480000xf32, #tpu.memory_space<hbm>> -> memref<2512xf32, #tpu.memory_space<hbm>>
      %dma_start3A_24 = arith.constant 7536 : i32
      %dma_start3A_25 = tpu.memref_slice %arg6[%dma_start3A_24] : memref<15072xf32, #tpu.memory_space<vmem>> -> memref<2512xf32, #tpu.memory_space<vmem>>
      tpu.enqueue_dma source(%dma_start3A_25 : memref<2512xf32, #tpu.memory_space<vmem>>) target(%dma_start3A_23 : memref<2512xf32, #tpu.memory_space<hbm>>) target_semaphore(%run_scoped3A : memref<!tpu.dma_semaphore, #tpu.memory_space<semaphore_mem>>)
      %dma_wait3A = arith.constant 7536 : i32
      %dma_wait3A_26 = tpu.memref_slice %arg6[%dma_wait3A] : memref<15072xf32, #tpu.memory_space<vmem>> -> memref<2512xf32, #tpu.memory_space<vmem>>
      %dma_wait3A_27 = tpu.memref_slice %arg4[%add3A_16] : memref<480000xf32, #tpu.memory_space<hbm>> -> memref<2512xf32, #tpu.memory_space<hbm>>
      %dma_wait3A_28 = tpu.memref_slice %arg4[%add3A_16] : memref<480000xf32, #tpu.memory_space<hbm>> -> memref<2512xf32, #tpu.memory_space<hbm>>
      %dma_wait3A_29 = arith.constant 7536 : i32
      %dma_wait3A_30 = tpu.memref_slice %arg6[%dma_wait3A_29] : memref<15072xf32, #tpu.memory_space<vmem>> -> memref<2512xf32, #tpu.memory_space<vmem>>
      tpu.wait_dma2 semaphore(%run_scoped3A : memref<!tpu.dma_semaphore, #tpu.memory_space<semaphore_mem>>) src(%dma_wait3A_30 : memref<2512xf32, #tpu.memory_space<vmem>>) dst(%dma_wait3A_28 : memref<2512xf32, #tpu.memory_space<hbm>>)
      tpu.yield
    }) : () -> ()
    %add3A_17 = arith.constant 320000 : i32
    %add3A_18 = arith.addi %add3A_17, %min3A_3 : i32
    "tpu.region"() ({
      %run_scoped3A = tpu.sem_alloc : memref<!tpu.dma_semaphore, #tpu.memory_space<semaphore_mem>>
      %dma_start3A = arith.constant 10048 : i32
      %dma_start3A_21 = tpu.memref_slice %arg6[%dma_start3A] : memref<15072xf32, #tpu.memory_space<vmem>> -> memref<2512xf32, #tpu.memory_space<vmem>>
      %dma_start3A_22 = tpu.memref_slice %arg4[%add3A_18] : memref<480000xf32, #tpu.memory_space<hbm>> -> memref<2512xf32, #tpu.memory_space<hbm>>
      %dma_start3A_23 = tpu.memref_slice %arg4[%add3A_18] : memref<480000xf32, #tpu.memory_space<hbm>> -> memref<2512xf32, #tpu.memory_space<hbm>>
      %dma_start3A_24 = arith.constant 10048 : i32
      %dma_start3A_25 = tpu.memref_slice %arg6[%dma_start3A_24] : memref<15072xf32, #tpu.memory_space<vmem>> -> memref<2512xf32, #tpu.memory_space<vmem>>
      tpu.enqueue_dma source(%dma_start3A_25 : memref<2512xf32, #tpu.memory_space<vmem>>) target(%dma_start3A_23 : memref<2512xf32, #tpu.memory_space<hbm>>) target_semaphore(%run_scoped3A : memref<!tpu.dma_semaphore, #tpu.memory_space<semaphore_mem>>)
      %dma_wait3A = arith.constant 10048 : i32
      %dma_wait3A_26 = tpu.memref_slice %arg6[%dma_wait3A] : memref<15072xf32, #tpu.memory_space<vmem>> -> memref<2512xf32, #tpu.memory_space<vmem>>
      %dma_wait3A_27 = tpu.memref_slice %arg4[%add3A_18] : memref<480000xf32, #tpu.memory_space<hbm>> -> memref<2512xf32, #tpu.memory_space<hbm>>
      %dma_wait3A_28 = tpu.memref_slice %arg4[%add3A_18] : memref<480000xf32, #tpu.memory_space<hbm>> -> memref<2512xf32, #tpu.memory_space<hbm>>
      %dma_wait3A_29 = arith.constant 10048 : i32
      %dma_wait3A_30 = tpu.memref_slice %arg6[%dma_wait3A_29] : memref<15072xf32, #tpu.memory_space<vmem>> -> memref<2512xf32, #tpu.memory_space<vmem>>
      tpu.wait_dma2 semaphore(%run_scoped3A : memref<!tpu.dma_semaphore, #tpu.memory_space<semaphore_mem>>) src(%dma_wait3A_30 : memref<2512xf32, #tpu.memory_space<vmem>>) dst(%dma_wait3A_28 : memref<2512xf32, #tpu.memory_space<hbm>>)
      tpu.yield
    }) : () -> ()
    %add3A_19 = arith.constant 400000 : i32
    %add3A_20 = arith.addi %add3A_19, %min3A_3 : i32
    "tpu.region"() ({
      %run_scoped3A = tpu.sem_alloc : memref<!tpu.dma_semaphore, #tpu.memory_space<semaphore_mem>>
      %dma_start3A = arith.constant 12560 : i32
      %dma_start3A_21 = tpu.memref_slice %arg6[%dma_start3A] : memref<15072xf32, #tpu.memory_space<vmem>> -> memref<2512xf32, #tpu.memory_space<vmem>>
      %dma_start3A_22 = tpu.memref_slice %arg4[%add3A_20] : memref<480000xf32, #tpu.memory_space<hbm>> -> memref<2512xf32, #tpu.memory_space<hbm>>
      %dma_start3A_23 = tpu.memref_slice %arg4[%add3A_20] : memref<480000xf32, #tpu.memory_space<hbm>> -> memref<2512xf32, #tpu.memory_space<hbm>>
      %dma_start3A_24 = arith.constant 12560 : i32
      %dma_start3A_25 = tpu.memref_slice %arg6[%dma_start3A_24] : memref<15072xf32, #tpu.memory_space<vmem>> -> memref<2512xf32, #tpu.memory_space<vmem>>
      tpu.enqueue_dma source(%dma_start3A_25 : memref<2512xf32, #tpu.memory_space<vmem>>) target(%dma_start3A_23 : memref<2512xf32, #tpu.memory_space<hbm>>) target_semaphore(%run_scoped3A : memref<!tpu.dma_semaphore, #tpu.memory_space<semaphore_mem>>)
      %dma_wait3A = arith.constant 12560 : i32
      %dma_wait3A_26 = tpu.memref_slice %arg6[%dma_wait3A] : memref<15072xf32, #tpu.memory_space<vmem>> -> memref<2512xf32, #tpu.memory_space<vmem>>
      %dma_wait3A_27 = tpu.memref_slice %arg4[%add3A_20] : memref<480000xf32, #tpu.memory_space<hbm>> -> memref<2512xf32, #tpu.memory_space<hbm>>
      %dma_wait3A_28 = tpu.memref_slice %arg4[%add3A_20] : memref<480000xf32, #tpu.memory_space<hbm>> -> memref<2512xf32, #tpu.memory_space<hbm>>
      %dma_wait3A_29 = arith.constant 12560 : i32
      %dma_wait3A_30 = tpu.memref_slice %arg6[%dma_wait3A_29] : memref<15072xf32, #tpu.memory_space<vmem>> -> memref<2512xf32, #tpu.memory_space<vmem>>
      tpu.wait_dma2 semaphore(%run_scoped3A : memref<!tpu.dma_semaphore, #tpu.memory_space<semaphore_mem>>) src(%dma_wait3A_30 : memref<2512xf32, #tpu.memory_space<vmem>>) dst(%dma_wait3A_28 : memref<2512xf32, #tpu.memory_space<hbm>>)
      tpu.yield
    }) : () -> ()
    return
  }
}

module attributes {stable_mosaic.version = 14 : i64} {
  func.func @_tc_body(%arg0: i32, %arg1: memref<4x7x2048xf32, #tpu.memory_space<vmem>>, %arg2: memref<4x128x6xf32, #tpu.memory_space<vmem>>, %arg3: memref<4x2048xi32, #tpu.memory_space<vmem>>, %arg4: memref<4x2048xi32, #tpu.memory_space<vmem>>) attributes {dimension_semantics = [#tpu.dimension_semantics<arbitrary>], iteration_bounds = array<i64: 10>, scalar_prefetch = 0 : i64, scratch_operands = 0 : i64, tpu.core_type = #tpu.core_type<tc>, window_params = [{transform_indices = @transform_0, window_bounds = array<i64: 4, 7, 2048>}, {pipeline_mode = #tpu.pipeline_mode<synchronous>, transform_indices = @transform_1, window_bounds = array<i64: 4, 128, 6>}, {transform_indices = @transform_2, window_bounds = array<i64: 4, 2048>}, {transform_indices = @transform_3, window_bounds = array<i64: 4, 2048>}]} {
    %iota3A = tpu.iota {dimensions = array<i32: 0>} : vector<128x2048xi32>
    %get3A = arith.constant 0 : index
    %get3A_0 = arith.constant 0 : index
    %get3A_1 = arith.constant 0 : index
    %get3A_2 = vector.load %arg2[%get3A, %get3A_0, %get3A_1] : memref<4x128x6xf32, #tpu.memory_space<vmem>>, vector<1x128x6xf32>
    %get3A_3 = vector.shape_cast %get3A_2 : vector<1x128x6xf32> to vector<128x6xf32>
    %get3A_4 = arith.constant 0 : index
    %get3A_5 = arith.constant 0 : index
    %get3A_6 = arith.constant 0 : index
    %get3A_7 = vector.load %arg1[%get3A_4, %get3A_5, %get3A_6] : memref<4x7x2048xf32, #tpu.memory_space<vmem>>, vector<1x7x2048xf32>
    %get3A_8 = vector.shape_cast %get3A_7 : vector<1x7x2048xf32> to vector<7x2048xf32>
    %slice3A = vector.extract_strided_slice %get3A_8 {offsets = [1, 0], sizes = [1, 2048], strides = [1, 1]} : vector<7x2048xf32> to vector<1x2048xf32>
    %slice3A_9 = vector.extract_strided_slice %get3A_8 {offsets = [4, 0], sizes = [1, 2048], strides = [1, 1]} : vector<7x2048xf32> to vector<1x2048xf32>
    %slice3A_10 = vector.extract_strided_slice %get3A_3 {offsets = [0, 0], sizes = [128, 1], strides = [1, 1]} : vector<128x6xf32> to vector<128x1xf32>
    %slice3A_11 = vector.extract_strided_slice %get3A_3 {offsets = [0, 3], sizes = [128, 1], strides = [1, 1]} : vector<128x6xf32> to vector<128x1xf32>
    %min3A = vector.broadcast %slice3A_9 : vector<1x2048xf32> to vector<128x2048xf32>
    %min3A_12 = vector.broadcast %slice3A_11 : vector<128x1xf32> to vector<128x2048xf32>
    %min3A_13 = arith.minimumf %min3A, %min3A_12 : vector<128x2048xf32>
    %max3A = vector.broadcast %slice3A : vector<1x2048xf32> to vector<128x2048xf32>
    %max3A_14 = vector.broadcast %slice3A_10 : vector<128x1xf32> to vector<128x2048xf32>
    %max3A_15 = arith.maximumf %max3A, %max3A_14 : vector<128x2048xf32>
    %sub3A = arith.subf %min3A_13, %max3A_15 : vector<128x2048xf32>
    %max3A_16 = arith.constant 0.000000e+00 : f32
    %max3A_17 = vector.broadcast %max3A_16 : f32 to vector<128x2048xf32>
    %max3A_18 = arith.maximumf %sub3A, %max3A_17 : vector<128x2048xf32>
    %sub3A_19 = arith.subf %slice3A_9, %slice3A : vector<1x2048xf32>
    %max3A_20 = arith.constant 0.000000e+00 : f32
    %max3A_21 = vector.broadcast %max3A_20 : f32 to vector<1x2048xf32>
    %max3A_22 = arith.maximumf %sub3A_19, %max3A_21 : vector<1x2048xf32>
    %sub3A_23 = arith.subf %slice3A_11, %slice3A_10 : vector<128x1xf32>
    %max3A_24 = arith.constant 0.000000e+00 : f32
    %max3A_25 = vector.broadcast %max3A_24 : f32 to vector<128x1xf32>
    %max3A_26 = arith.maximumf %sub3A_23, %max3A_25 : vector<128x1xf32>
    %slice3A_27 = vector.extract_strided_slice %get3A_8 {offsets = [2, 0], sizes = [1, 2048], strides = [1, 1]} : vector<7x2048xf32> to vector<1x2048xf32>
    %slice3A_28 = vector.extract_strided_slice %get3A_8 {offsets = [5, 0], sizes = [1, 2048], strides = [1, 1]} : vector<7x2048xf32> to vector<1x2048xf32>
    %slice3A_29 = vector.extract_strided_slice %get3A_3 {offsets = [0, 1], sizes = [128, 1], strides = [1, 1]} : vector<128x6xf32> to vector<128x1xf32>
    %slice3A_30 = vector.extract_strided_slice %get3A_3 {offsets = [0, 4], sizes = [128, 1], strides = [1, 1]} : vector<128x6xf32> to vector<128x1xf32>
    %min3A_31 = vector.broadcast %slice3A_28 : vector<1x2048xf32> to vector<128x2048xf32>
    %min3A_32 = vector.broadcast %slice3A_30 : vector<128x1xf32> to vector<128x2048xf32>
    %min3A_33 = arith.minimumf %min3A_31, %min3A_32 : vector<128x2048xf32>
    %max3A_34 = vector.broadcast %slice3A_27 : vector<1x2048xf32> to vector<128x2048xf32>
    %max3A_35 = vector.broadcast %slice3A_29 : vector<128x1xf32> to vector<128x2048xf32>
    %max3A_36 = arith.maximumf %max3A_34, %max3A_35 : vector<128x2048xf32>
    %sub3A_37 = arith.subf %min3A_33, %max3A_36 : vector<128x2048xf32>
    %max3A_38 = arith.constant 0.000000e+00 : f32
    %max3A_39 = vector.broadcast %max3A_38 : f32 to vector<128x2048xf32>
    %max3A_40 = arith.maximumf %sub3A_37, %max3A_39 : vector<128x2048xf32>
    %mul3A = arith.mulf %max3A_18, %max3A_40 : vector<128x2048xf32>
    %sub3A_41 = arith.subf %slice3A_28, %slice3A_27 : vector<1x2048xf32>
    %max3A_42 = arith.constant 0.000000e+00 : f32
    %max3A_43 = vector.broadcast %max3A_42 : f32 to vector<1x2048xf32>
    %max3A_44 = arith.maximumf %sub3A_41, %max3A_43 : vector<1x2048xf32>
    %mul3A_45 = arith.mulf %max3A_22, %max3A_44 : vector<1x2048xf32>
    %sub3A_46 = arith.subf %slice3A_30, %slice3A_29 : vector<128x1xf32>
    %max3A_47 = arith.constant 0.000000e+00 : f32
    %max3A_48 = vector.broadcast %max3A_47 : f32 to vector<128x1xf32>
    %max3A_49 = arith.maximumf %sub3A_46, %max3A_48 : vector<128x1xf32>
    %mul3A_50 = arith.mulf %max3A_26, %max3A_49 : vector<128x1xf32>
    %slice3A_51 = vector.extract_strided_slice %get3A_8 {offsets = [3, 0], sizes = [1, 2048], strides = [1, 1]} : vector<7x2048xf32> to vector<1x2048xf32>
    %slice3A_52 = vector.extract_strided_slice %get3A_8 {offsets = [6, 0], sizes = [1, 2048], strides = [1, 1]} : vector<7x2048xf32> to vector<1x2048xf32>
    %slice3A_53 = vector.extract_strided_slice %get3A_3 {offsets = [0, 2], sizes = [128, 1], strides = [1, 1]} : vector<128x6xf32> to vector<128x1xf32>
    %slice3A_54 = vector.extract_strided_slice %get3A_3 {offsets = [0, 5], sizes = [128, 1], strides = [1, 1]} : vector<128x6xf32> to vector<128x1xf32>
    %min3A_55 = vector.broadcast %slice3A_52 : vector<1x2048xf32> to vector<128x2048xf32>
    %min3A_56 = vector.broadcast %slice3A_54 : vector<128x1xf32> to vector<128x2048xf32>
    %min3A_57 = arith.minimumf %min3A_55, %min3A_56 : vector<128x2048xf32>
    %max3A_58 = vector.broadcast %slice3A_51 : vector<1x2048xf32> to vector<128x2048xf32>
    %max3A_59 = vector.broadcast %slice3A_53 : vector<128x1xf32> to vector<128x2048xf32>
    %max3A_60 = arith.maximumf %max3A_58, %max3A_59 : vector<128x2048xf32>
    %sub3A_61 = arith.subf %min3A_57, %max3A_60 : vector<128x2048xf32>
    %max3A_62 = arith.constant 0.000000e+00 : f32
    %max3A_63 = vector.broadcast %max3A_62 : f32 to vector<128x2048xf32>
    %max3A_64 = arith.maximumf %sub3A_61, %max3A_63 : vector<128x2048xf32>
    %mul3A_65 = arith.mulf %mul3A, %max3A_64 : vector<128x2048xf32>
    %sub3A_66 = arith.subf %slice3A_52, %slice3A_51 : vector<1x2048xf32>
    %max3A_67 = arith.constant 0.000000e+00 : f32
    %max3A_68 = vector.broadcast %max3A_67 : f32 to vector<1x2048xf32>
    %max3A_69 = arith.maximumf %sub3A_66, %max3A_68 : vector<1x2048xf32>
    %mul3A_70 = arith.mulf %mul3A_45, %max3A_69 : vector<1x2048xf32>
    %sub3A_71 = arith.subf %slice3A_54, %slice3A_53 : vector<128x1xf32>
    %max3A_72 = arith.constant 0.000000e+00 : f32
    %max3A_73 = vector.broadcast %max3A_72 : f32 to vector<128x1xf32>
    %max3A_74 = arith.maximumf %sub3A_71, %max3A_73 : vector<128x1xf32>
    %mul3A_75 = arith.mulf %mul3A_50, %max3A_74 : vector<128x1xf32>
    %add3A = vector.broadcast %mul3A_70 : vector<1x2048xf32> to vector<128x2048xf32>
    %add3A_76 = vector.broadcast %mul3A_75 : vector<128x1xf32> to vector<128x2048xf32>
    %add3A_77 = arith.addf %add3A, %add3A_76 : vector<128x2048xf32>
    %sub3A_78 = arith.subf %add3A_77, %mul3A_65 : vector<128x2048xf32>
    %div3A = arith.divf %mul3A_65, %sub3A_78 : vector<128x2048xf32>
    %reduce_max3A = arith.constant dense<0xFF800000> : vector<2048xf32>
    %reduce_max3A_79 = vector.multi_reduction <maximumf>, %div3A, %reduce_max3A [0] : vector<128x2048xf32> to vector<2048xf32>
    %broadcast_in_dim3A = vector.shape_cast %reduce_max3A_79 : vector<2048xf32> to vector<1x2048xf32>
    %squeeze3A = vector.shape_cast %broadcast_in_dim3A : vector<1x2048xf32> to vector<2048xf32>
    %ge3A = arith.constant 5.000000e-01 : f32
    %ge3A_80 = vector.broadcast %ge3A : f32 to vector<2048xf32>
    %ge3A_81 = arith.cmpf oge, %squeeze3A, %ge3A_80 : vector<2048xf32>
    %convert_element_type3A = arith.extui %ge3A_81 : vector<2048xi1> to vector<2048xi32>
    %swap3A = arith.constant 0 : index
    %swap3A_82 = arith.constant 0 : index
    %swap3A_83 = vector.load %arg3[%swap3A, %swap3A_82] : memref<4x2048xi32, #tpu.memory_space<vmem>>, vector<1x2048xi32>
    %swap3A_84 = vector.shape_cast %swap3A_83 : vector<1x2048xi32> to vector<2048xi32>
    %swap3A_85 = vector.shape_cast %convert_element_type3A : vector<2048xi32> to vector<1x2048xi32>
    tpu.vector_store %arg3[%swap3A, %swap3A_82], %swap3A_85 {strides = array<i32>} : memref<4x2048xi32, #tpu.memory_space<vmem>>, vector<1x2048xi32>,
    %eq3A = vector.broadcast %broadcast_in_dim3A : vector<1x2048xf32> to vector<128x2048xf32>
    %eq3A_86 = arith.cmpf oeq, %div3A, %eq3A : vector<128x2048xf32>
    %jit3A = arith.constant 128 : i32
    %broadcast_in_dim3A_87 = vector.broadcast %jit3A : i32 to vector<128x2048xi32>
    %select_n3A = arith.select %eq3A_86, %iota3A, %broadcast_in_dim3A_87 : vector<128x2048xi1>, vector<128x2048xi32>
    %reduce_min3A = arith.constant dense<2147483647> : vector<2048xi32>
    %reduce_min3A_88 = vector.multi_reduction <minsi>, %select_n3A, %reduce_min3A [0] : vector<128x2048xi32> to vector<2048xi32>
    %add3A_89 = arith.constant 0 : i32
    %add3A_90 = vector.broadcast %add3A_89 : i32 to vector<2048xi32>
    %add3A_91 = arith.addi %reduce_min3A_88, %add3A_90 : vector<2048xi32>
    %swap3A_92 = arith.constant 0 : index
    %swap3A_93 = arith.constant 0 : index
    %swap3A_94 = vector.load %arg4[%swap3A_92, %swap3A_93] : memref<4x2048xi32, #tpu.memory_space<vmem>>, vector<1x2048xi32>
    %swap3A_95 = vector.shape_cast %swap3A_94 : vector<1x2048xi32> to vector<2048xi32>
    %swap3A_96 = vector.shape_cast %add3A_91 : vector<2048xi32> to vector<1x2048xi32>
    tpu.vector_store %arg4[%swap3A_92, %swap3A_93], %swap3A_96 {strides = array<i32>} : memref<4x2048xi32, #tpu.memory_space<vmem>>, vector<1x2048xi32>,
    %get3A_97 = arith.constant 1 : index
    %get3A_98 = arith.constant 0 : index
    %get3A_99 = arith.constant 0 : index
    %get3A_100 = vector.load %arg2[%get3A_97, %get3A_98, %get3A_99] : memref<4x128x6xf32, #tpu.memory_space<vmem>>, vector<1x128x6xf32>
    %get3A_101 = vector.shape_cast %get3A_100 : vector<1x128x6xf32> to vector<128x6xf32>
    %get3A_102 = arith.constant 1 : index
    %get3A_103 = arith.constant 0 : index
    %get3A_104 = arith.constant 0 : index
    %get3A_105 = vector.load %arg1[%get3A_102, %get3A_103, %get3A_104] : memref<4x7x2048xf32, #tpu.memory_space<vmem>>, vector<1x7x2048xf32>
    %get3A_106 = vector.shape_cast %get3A_105 : vector<1x7x2048xf32> to vector<7x2048xf32>
    %slice3A_107 = vector.extract_strided_slice %get3A_106 {offsets = [1, 0], sizes = [1, 2048], strides = [1, 1]} : vector<7x2048xf32> to vector<1x2048xf32>
    %slice3A_108 = vector.extract_strided_slice %get3A_106 {offsets = [4, 0], sizes = [1, 2048], strides = [1, 1]} : vector<7x2048xf32> to vector<1x2048xf32>
    %slice3A_109 = vector.extract_strided_slice %get3A_101 {offsets = [0, 0], sizes = [128, 1], strides = [1, 1]} : vector<128x6xf32> to vector<128x1xf32>
    %slice3A_110 = vector.extract_strided_slice %get3A_101 {offsets = [0, 3], sizes = [128, 1], strides = [1, 1]} : vector<128x6xf32> to vector<128x1xf32>
    %min3A_111 = vector.broadcast %slice3A_108 : vector<1x2048xf32> to vector<128x2048xf32>
    %min3A_112 = vector.broadcast %slice3A_110 : vector<128x1xf32> to vector<128x2048xf32>
    %min3A_113 = arith.minimumf %min3A_111, %min3A_112 : vector<128x2048xf32>
    %max3A_114 = vector.broadcast %slice3A_107 : vector<1x2048xf32> to vector<128x2048xf32>
    %max3A_115 = vector.broadcast %slice3A_109 : vector<128x1xf32> to vector<128x2048xf32>
    %max3A_116 = arith.maximumf %max3A_114, %max3A_115 : vector<128x2048xf32>
    %sub3A_117 = arith.subf %min3A_113, %max3A_116 : vector<128x2048xf32>
    %max3A_118 = arith.constant 0.000000e+00 : f32
    %max3A_119 = vector.broadcast %max3A_118 : f32 to vector<128x2048xf32>
    %max3A_120 = arith.maximumf %sub3A_117, %max3A_119 : vector<128x2048xf32>
    %sub3A_121 = arith.subf %slice3A_108, %slice3A_107 : vector<1x2048xf32>
    %max3A_122 = arith.constant 0.000000e+00 : f32
    %max3A_123 = vector.broadcast %max3A_122 : f32 to vector<1x2048xf32>
    %max3A_124 = arith.maximumf %sub3A_121, %max3A_123 : vector<1x2048xf32>
    %sub3A_125 = arith.subf %slice3A_110, %slice3A_109 : vector<128x1xf32>
    %max3A_126 = arith.constant 0.000000e+00 : f32
    %max3A_127 = vector.broadcast %max3A_126 : f32 to vector<128x1xf32>
    %max3A_128 = arith.maximumf %sub3A_125, %max3A_127 : vector<128x1xf32>
    %slice3A_129 = vector.extract_strided_slice %get3A_106 {offsets = [2, 0], sizes = [1, 2048], strides = [1, 1]} : vector<7x2048xf32> to vector<1x2048xf32>
    %slice3A_130 = vector.extract_strided_slice %get3A_106 {offsets = [5, 0], sizes = [1, 2048], strides = [1, 1]} : vector<7x2048xf32> to vector<1x2048xf32>
    %slice3A_131 = vector.extract_strided_slice %get3A_101 {offsets = [0, 1], sizes = [128, 1], strides = [1, 1]} : vector<128x6xf32> to vector<128x1xf32>
    %slice3A_132 = vector.extract_strided_slice %get3A_101 {offsets = [0, 4], sizes = [128, 1], strides = [1, 1]} : vector<128x6xf32> to vector<128x1xf32>
    %min3A_133 = vector.broadcast %slice3A_130 : vector<1x2048xf32> to vector<128x2048xf32>
    %min3A_134 = vector.broadcast %slice3A_132 : vector<128x1xf32> to vector<128x2048xf32>
    %min3A_135 = arith.minimumf %min3A_133, %min3A_134 : vector<128x2048xf32>
    %max3A_136 = vector.broadcast %slice3A_129 : vector<1x2048xf32> to vector<128x2048xf32>
    %max3A_137 = vector.broadcast %slice3A_131 : vector<128x1xf32> to vector<128x2048xf32>
    %max3A_138 = arith.maximumf %max3A_136, %max3A_137 : vector<128x2048xf32>
    %sub3A_139 = arith.subf %min3A_135, %max3A_138 : vector<128x2048xf32>
    %max3A_140 = arith.constant 0.000000e+00 : f32
    %max3A_141 = vector.broadcast %max3A_140 : f32 to vector<128x2048xf32>
    %max3A_142 = arith.maximumf %sub3A_139, %max3A_141 : vector<128x2048xf32>
    %mul3A_143 = arith.mulf %max3A_120, %max3A_142 : vector<128x2048xf32>
    %sub3A_144 = arith.subf %slice3A_130, %slice3A_129 : vector<1x2048xf32>
    %max3A_145 = arith.constant 0.000000e+00 : f32
    %max3A_146 = vector.broadcast %max3A_145 : f32 to vector<1x2048xf32>
    %max3A_147 = arith.maximumf %sub3A_144, %max3A_146 : vector<1x2048xf32>
    %mul3A_148 = arith.mulf %max3A_124, %max3A_147 : vector<1x2048xf32>
    %sub3A_149 = arith.subf %slice3A_132, %slice3A_131 : vector<128x1xf32>
    %max3A_150 = arith.constant 0.000000e+00 : f32
    %max3A_151 = vector.broadcast %max3A_150 : f32 to vector<128x1xf32>
    %max3A_152 = arith.maximumf %sub3A_149, %max3A_151 : vector<128x1xf32>
    %mul3A_153 = arith.mulf %max3A_128, %max3A_152 : vector<128x1xf32>
    %slice3A_154 = vector.extract_strided_slice %get3A_106 {offsets = [3, 0], sizes = [1, 2048], strides = [1, 1]} : vector<7x2048xf32> to vector<1x2048xf32>
    %slice3A_155 = vector.extract_strided_slice %get3A_106 {offsets = [6, 0], sizes = [1, 2048], strides = [1, 1]} : vector<7x2048xf32> to vector<1x2048xf32>
    %slice3A_156 = vector.extract_strided_slice %get3A_101 {offsets = [0, 2], sizes = [128, 1], strides = [1, 1]} : vector<128x6xf32> to vector<128x1xf32>
    %slice3A_157 = vector.extract_strided_slice %get3A_101 {offsets = [0, 5], sizes = [128, 1], strides = [1, 1]} : vector<128x6xf32> to vector<128x1xf32>
    %min3A_158 = vector.broadcast %slice3A_155 : vector<1x2048xf32> to vector<128x2048xf32>
    %min3A_159 = vector.broadcast %slice3A_157 : vector<128x1xf32> to vector<128x2048xf32>
    %min3A_160 = arith.minimumf %min3A_158, %min3A_159 : vector<128x2048xf32>
    %max3A_161 = vector.broadcast %slice3A_154 : vector<1x2048xf32> to vector<128x2048xf32>
    %max3A_162 = vector.broadcast %slice3A_156 : vector<128x1xf32> to vector<128x2048xf32>
    %max3A_163 = arith.maximumf %max3A_161, %max3A_162 : vector<128x2048xf32>
    %sub3A_164 = arith.subf %min3A_160, %max3A_163 : vector<128x2048xf32>
    %max3A_165 = arith.constant 0.000000e+00 : f32
    %max3A_166 = vector.broadcast %max3A_165 : f32 to vector<128x2048xf32>
    %max3A_167 = arith.maximumf %sub3A_164, %max3A_166 : vector<128x2048xf32>
    %mul3A_168 = arith.mulf %mul3A_143, %max3A_167 : vector<128x2048xf32>
    %sub3A_169 = arith.subf %slice3A_155, %slice3A_154 : vector<1x2048xf32>
    %max3A_170 = arith.constant 0.000000e+00 : f32
    %max3A_171 = vector.broadcast %max3A_170 : f32 to vector<1x2048xf32>
    %max3A_172 = arith.maximumf %sub3A_169, %max3A_171 : vector<1x2048xf32>
    %mul3A_173 = arith.mulf %mul3A_148, %max3A_172 : vector<1x2048xf32>
    %sub3A_174 = arith.subf %slice3A_157, %slice3A_156 : vector<128x1xf32>
    %max3A_175 = arith.constant 0.000000e+00 : f32
    %max3A_176 = vector.broadcast %max3A_175 : f32 to vector<128x1xf32>
    %max3A_177 = arith.maximumf %sub3A_174, %max3A_176 : vector<128x1xf32>
    %mul3A_178 = arith.mulf %mul3A_153, %max3A_177 : vector<128x1xf32>
    %add3A_179 = vector.broadcast %mul3A_173 : vector<1x2048xf32> to vector<128x2048xf32>
    %add3A_180 = vector.broadcast %mul3A_178 : vector<128x1xf32> to vector<128x2048xf32>
    %add3A_181 = arith.addf %add3A_179, %add3A_180 : vector<128x2048xf32>
    %sub3A_182 = arith.subf %add3A_181, %mul3A_168 : vector<128x2048xf32>
    %div3A_183 = arith.divf %mul3A_168, %sub3A_182 : vector<128x2048xf32>
    %reduce_max3A_184 = arith.constant dense<0xFF800000> : vector<2048xf32>
    %reduce_max3A_185 = vector.multi_reduction <maximumf>, %div3A_183, %reduce_max3A_184 [0] : vector<128x2048xf32> to vector<2048xf32>
    %broadcast_in_dim3A_186 = vector.shape_cast %reduce_max3A_185 : vector<2048xf32> to vector<1x2048xf32>
    %squeeze3A_187 = vector.shape_cast %broadcast_in_dim3A_186 : vector<1x2048xf32> to vector<2048xf32>
    %ge3A_188 = arith.constant 5.000000e-01 : f32
    %ge3A_189 = vector.broadcast %ge3A_188 : f32 to vector<2048xf32>
    %ge3A_190 = arith.cmpf oge, %squeeze3A_187, %ge3A_189 : vector<2048xf32>
    %convert_element_type3A_191 = arith.extui %ge3A_190 : vector<2048xi1> to vector<2048xi32>
    %swap3A_192 = arith.constant 1 : index
    %swap3A_193 = arith.constant 0 : index
    %swap3A_194 = vector.load %arg3[%swap3A_192, %swap3A_193] : memref<4x2048xi32, #tpu.memory_space<vmem>>, vector<1x2048xi32>
    %swap3A_195 = vector.shape_cast %swap3A_194 : vector<1x2048xi32> to vector<2048xi32>
    %swap3A_196 = vector.shape_cast %convert_element_type3A_191 : vector<2048xi32> to vector<1x2048xi32>
    tpu.vector_store %arg3[%swap3A_192, %swap3A_193], %swap3A_196 {strides = array<i32>} : memref<4x2048xi32, #tpu.memory_space<vmem>>, vector<1x2048xi32>,
    %eq3A_197 = vector.broadcast %broadcast_in_dim3A_186 : vector<1x2048xf32> to vector<128x2048xf32>
    %eq3A_198 = arith.cmpf oeq, %div3A_183, %eq3A_197 : vector<128x2048xf32>
    %jit3A_199 = arith.constant 128 : i32
    %broadcast_in_dim3A_200 = vector.broadcast %jit3A_199 : i32 to vector<128x2048xi32>
    %select_n3A_201 = arith.select %eq3A_198, %iota3A, %broadcast_in_dim3A_200 : vector<128x2048xi1>, vector<128x2048xi32>
    %reduce_min3A_202 = arith.constant dense<2147483647> : vector<2048xi32>
    %reduce_min3A_203 = vector.multi_reduction <minsi>, %select_n3A_201, %reduce_min3A_202 [0] : vector<128x2048xi32> to vector<2048xi32>
    %add3A_204 = arith.constant 128 : i32
    %add3A_205 = vector.broadcast %add3A_204 : i32 to vector<2048xi32>
    %add3A_206 = arith.addi %reduce_min3A_203, %add3A_205 : vector<2048xi32>
    %swap3A_207 = arith.constant 1 : index
    %swap3A_208 = arith.constant 0 : index
    %swap3A_209 = vector.load %arg4[%swap3A_207, %swap3A_208] : memref<4x2048xi32, #tpu.memory_space<vmem>>, vector<1x2048xi32>
    %swap3A_210 = vector.shape_cast %swap3A_209 : vector<1x2048xi32> to vector<2048xi32>
    %swap3A_211 = vector.shape_cast %add3A_206 : vector<2048xi32> to vector<1x2048xi32>
    tpu.vector_store %arg4[%swap3A_207, %swap3A_208], %swap3A_211 {strides = array<i32>} : memref<4x2048xi32, #tpu.memory_space<vmem>>, vector<1x2048xi32>,
    %get3A_212 = arith.constant 2 : index
    %get3A_213 = arith.constant 0 : index
    %get3A_214 = arith.constant 0 : index
    %get3A_215 = vector.load %arg2[%get3A_212, %get3A_213, %get3A_214] : memref<4x128x6xf32, #tpu.memory_space<vmem>>, vector<1x128x6xf32>
    %get3A_216 = vector.shape_cast %get3A_215 : vector<1x128x6xf32> to vector<128x6xf32>
    %get3A_217 = arith.constant 2 : index
    %get3A_218 = arith.constant 0 : index
    %get3A_219 = arith.constant 0 : index
    %get3A_220 = vector.load %arg1[%get3A_217, %get3A_218, %get3A_219] : memref<4x7x2048xf32, #tpu.memory_space<vmem>>, vector<1x7x2048xf32>
    %get3A_221 = vector.shape_cast %get3A_220 : vector<1x7x2048xf32> to vector<7x2048xf32>
    %slice3A_222 = vector.extract_strided_slice %get3A_221 {offsets = [1, 0], sizes = [1, 2048], strides = [1, 1]} : vector<7x2048xf32> to vector<1x2048xf32>
    %slice3A_223 = vector.extract_strided_slice %get3A_221 {offsets = [4, 0], sizes = [1, 2048], strides = [1, 1]} : vector<7x2048xf32> to vector<1x2048xf32>
    %slice3A_224 = vector.extract_strided_slice %get3A_216 {offsets = [0, 0], sizes = [128, 1], strides = [1, 1]} : vector<128x6xf32> to vector<128x1xf32>
    %slice3A_225 = vector.extract_strided_slice %get3A_216 {offsets = [0, 3], sizes = [128, 1], strides = [1, 1]} : vector<128x6xf32> to vector<128x1xf32>
    %min3A_226 = vector.broadcast %slice3A_223 : vector<1x2048xf32> to vector<128x2048xf32>
    %min3A_227 = vector.broadcast %slice3A_225 : vector<128x1xf32> to vector<128x2048xf32>
    %min3A_228 = arith.minimumf %min3A_226, %min3A_227 : vector<128x2048xf32>
    %max3A_229 = vector.broadcast %slice3A_222 : vector<1x2048xf32> to vector<128x2048xf32>
    %max3A_230 = vector.broadcast %slice3A_224 : vector<128x1xf32> to vector<128x2048xf32>
    %max3A_231 = arith.maximumf %max3A_229, %max3A_230 : vector<128x2048xf32>
    %sub3A_232 = arith.subf %min3A_228, %max3A_231 : vector<128x2048xf32>
    %max3A_233 = arith.constant 0.000000e+00 : f32
    %max3A_234 = vector.broadcast %max3A_233 : f32 to vector<128x2048xf32>
    %max3A_235 = arith.maximumf %sub3A_232, %max3A_234 : vector<128x2048xf32>
    %sub3A_236 = arith.subf %slice3A_223, %slice3A_222 : vector<1x2048xf32>
    %max3A_237 = arith.constant 0.000000e+00 : f32
    %max3A_238 = vector.broadcast %max3A_237 : f32 to vector<1x2048xf32>
    %max3A_239 = arith.maximumf %sub3A_236, %max3A_238 : vector<1x2048xf32>
    %sub3A_240 = arith.subf %slice3A_225, %slice3A_224 : vector<128x1xf32>
    %max3A_241 = arith.constant 0.000000e+00 : f32
    %max3A_242 = vector.broadcast %max3A_241 : f32 to vector<128x1xf32>
    %max3A_243 = arith.maximumf %sub3A_240, %max3A_242 : vector<128x1xf32>
    %slice3A_244 = vector.extract_strided_slice %get3A_221 {offsets = [2, 0], sizes = [1, 2048], strides = [1, 1]} : vector<7x2048xf32> to vector<1x2048xf32>
    %slice3A_245 = vector.extract_strided_slice %get3A_221 {offsets = [5, 0], sizes = [1, 2048], strides = [1, 1]} : vector<7x2048xf32> to vector<1x2048xf32>
    %slice3A_246 = vector.extract_strided_slice %get3A_216 {offsets = [0, 1], sizes = [128, 1], strides = [1, 1]} : vector<128x6xf32> to vector<128x1xf32>
    %slice3A_247 = vector.extract_strided_slice %get3A_216 {offsets = [0, 4], sizes = [128, 1], strides = [1, 1]} : vector<128x6xf32> to vector<128x1xf32>
    %min3A_248 = vector.broadcast %slice3A_245 : vector<1x2048xf32> to vector<128x2048xf32>
    %min3A_249 = vector.broadcast %slice3A_247 : vector<128x1xf32> to vector<128x2048xf32>
    %min3A_250 = arith.minimumf %min3A_248, %min3A_249 : vector<128x2048xf32>
    %max3A_251 = vector.broadcast %slice3A_244 : vector<1x2048xf32> to vector<128x2048xf32>
    %max3A_252 = vector.broadcast %slice3A_246 : vector<128x1xf32> to vector<128x2048xf32>
    %max3A_253 = arith.maximumf %max3A_251, %max3A_252 : vector<128x2048xf32>
    %sub3A_254 = arith.subf %min3A_250, %max3A_253 : vector<128x2048xf32>
    %max3A_255 = arith.constant 0.000000e+00 : f32
    %max3A_256 = vector.broadcast %max3A_255 : f32 to vector<128x2048xf32>
    %max3A_257 = arith.maximumf %sub3A_254, %max3A_256 : vector<128x2048xf32>
    %mul3A_258 = arith.mulf %max3A_235, %max3A_257 : vector<128x2048xf32>
    %sub3A_259 = arith.subf %slice3A_245, %slice3A_244 : vector<1x2048xf32>
    %max3A_260 = arith.constant 0.000000e+00 : f32
    %max3A_261 = vector.broadcast %max3A_260 : f32 to vector<1x2048xf32>
    %max3A_262 = arith.maximumf %sub3A_259, %max3A_261 : vector<1x2048xf32>
    %mul3A_263 = arith.mulf %max3A_239, %max3A_262 : vector<1x2048xf32>
    %sub3A_264 = arith.subf %slice3A_247, %slice3A_246 : vector<128x1xf32>
    %max3A_265 = arith.constant 0.000000e+00 : f32
    %max3A_266 = vector.broadcast %max3A_265 : f32 to vector<128x1xf32>
    %max3A_267 = arith.maximumf %sub3A_264, %max3A_266 : vector<128x1xf32>
    %mul3A_268 = arith.mulf %max3A_243, %max3A_267 : vector<128x1xf32>
    %slice3A_269 = vector.extract_strided_slice %get3A_221 {offsets = [3, 0], sizes = [1, 2048], strides = [1, 1]} : vector<7x2048xf32> to vector<1x2048xf32>
    %slice3A_270 = vector.extract_strided_slice %get3A_221 {offsets = [6, 0], sizes = [1, 2048], strides = [1, 1]} : vector<7x2048xf32> to vector<1x2048xf32>
    %slice3A_271 = vector.extract_strided_slice %get3A_216 {offsets = [0, 2], sizes = [128, 1], strides = [1, 1]} : vector<128x6xf32> to vector<128x1xf32>
    %slice3A_272 = vector.extract_strided_slice %get3A_216 {offsets = [0, 5], sizes = [128, 1], strides = [1, 1]} : vector<128x6xf32> to vector<128x1xf32>
    %min3A_273 = vector.broadcast %slice3A_270 : vector<1x2048xf32> to vector<128x2048xf32>
    %min3A_274 = vector.broadcast %slice3A_272 : vector<128x1xf32> to vector<128x2048xf32>
    %min3A_275 = arith.minimumf %min3A_273, %min3A_274 : vector<128x2048xf32>
    %max3A_276 = vector.broadcast %slice3A_269 : vector<1x2048xf32> to vector<128x2048xf32>
    %max3A_277 = vector.broadcast %slice3A_271 : vector<128x1xf32> to vector<128x2048xf32>
    %max3A_278 = arith.maximumf %max3A_276, %max3A_277 : vector<128x2048xf32>
    %sub3A_279 = arith.subf %min3A_275, %max3A_278 : vector<128x2048xf32>
    %max3A_280 = arith.constant 0.000000e+00 : f32
    %max3A_281 = vector.broadcast %max3A_280 : f32 to vector<128x2048xf32>
    %max3A_282 = arith.maximumf %sub3A_279, %max3A_281 : vector<128x2048xf32>
    %mul3A_283 = arith.mulf %mul3A_258, %max3A_282 : vector<128x2048xf32>
    %sub3A_284 = arith.subf %slice3A_270, %slice3A_269 : vector<1x2048xf32>
    %max3A_285 = arith.constant 0.000000e+00 : f32
    %max3A_286 = vector.broadcast %max3A_285 : f32 to vector<1x2048xf32>
    %max3A_287 = arith.maximumf %sub3A_284, %max3A_286 : vector<1x2048xf32>
    %mul3A_288 = arith.mulf %mul3A_263, %max3A_287 : vector<1x2048xf32>
    %sub3A_289 = arith.subf %slice3A_272, %slice3A_271 : vector<128x1xf32>
    %max3A_290 = arith.constant 0.000000e+00 : f32
    %max3A_291 = vector.broadcast %max3A_290 : f32 to vector<128x1xf32>
    %max3A_292 = arith.maximumf %sub3A_289, %max3A_291 : vector<128x1xf32>
    %mul3A_293 = arith.mulf %mul3A_268, %max3A_292 : vector<128x1xf32>
    %add3A_294 = vector.broadcast %mul3A_288 : vector<1x2048xf32> to vector<128x2048xf32>
    %add3A_295 = vector.broadcast %mul3A_293 : vector<128x1xf32> to vector<128x2048xf32>
    %add3A_296 = arith.addf %add3A_294, %add3A_295 : vector<128x2048xf32>
    %sub3A_297 = arith.subf %add3A_296, %mul3A_283 : vector<128x2048xf32>
    %div3A_298 = arith.divf %mul3A_283, %sub3A_297 : vector<128x2048xf32>
    %reduce_max3A_299 = arith.constant dense<0xFF800000> : vector<2048xf32>
    %reduce_max3A_300 = vector.multi_reduction <maximumf>, %div3A_298, %reduce_max3A_299 [0] : vector<128x2048xf32> to vector<2048xf32>
    %broadcast_in_dim3A_301 = vector.shape_cast %reduce_max3A_300 : vector<2048xf32> to vector<1x2048xf32>
    %squeeze3A_302 = vector.shape_cast %broadcast_in_dim3A_301 : vector<1x2048xf32> to vector<2048xf32>
    %ge3A_303 = arith.constant 5.000000e-01 : f32
    %ge3A_304 = vector.broadcast %ge3A_303 : f32 to vector<2048xf32>
    %ge3A_305 = arith.cmpf oge, %squeeze3A_302, %ge3A_304 : vector<2048xf32>
    %convert_element_type3A_306 = arith.extui %ge3A_305 : vector<2048xi1> to vector<2048xi32>
    %swap3A_307 = arith.constant 2 : index
    %swap3A_308 = arith.constant 0 : index
    %swap3A_309 = vector.load %arg3[%swap3A_307, %swap3A_308] : memref<4x2048xi32, #tpu.memory_space<vmem>>, vector<1x2048xi32>
    %swap3A_310 = vector.shape_cast %swap3A_309 : vector<1x2048xi32> to vector<2048xi32>
    %swap3A_311 = vector.shape_cast %convert_element_type3A_306 : vector<2048xi32> to vector<1x2048xi32>
    tpu.vector_store %arg3[%swap3A_307, %swap3A_308], %swap3A_311 {strides = array<i32>} : memref<4x2048xi32, #tpu.memory_space<vmem>>, vector<1x2048xi32>,
    %eq3A_312 = vector.broadcast %broadcast_in_dim3A_301 : vector<1x2048xf32> to vector<128x2048xf32>
    %eq3A_313 = arith.cmpf oeq, %div3A_298, %eq3A_312 : vector<128x2048xf32>
    %jit3A_314 = arith.constant 128 : i32
    %broadcast_in_dim3A_315 = vector.broadcast %jit3A_314 : i32 to vector<128x2048xi32>
    %select_n3A_316 = arith.select %eq3A_313, %iota3A, %broadcast_in_dim3A_315 : vector<128x2048xi1>, vector<128x2048xi32>
    %reduce_min3A_317 = arith.constant dense<2147483647> : vector<2048xi32>
    %reduce_min3A_318 = vector.multi_reduction <minsi>, %select_n3A_316, %reduce_min3A_317 [0] : vector<128x2048xi32> to vector<2048xi32>
    %add3A_319 = arith.constant 256 : i32
    %add3A_320 = vector.broadcast %add3A_319 : i32 to vector<2048xi32>
    %add3A_321 = arith.addi %reduce_min3A_318, %add3A_320 : vector<2048xi32>
    %swap3A_322 = arith.constant 2 : index
    %swap3A_323 = arith.constant 0 : index
    %swap3A_324 = vector.load %arg4[%swap3A_322, %swap3A_323] : memref<4x2048xi32, #tpu.memory_space<vmem>>, vector<1x2048xi32>
    %swap3A_325 = vector.shape_cast %swap3A_324 : vector<1x2048xi32> to vector<2048xi32>
    %swap3A_326 = vector.shape_cast %add3A_321 : vector<2048xi32> to vector<1x2048xi32>
    tpu.vector_store %arg4[%swap3A_322, %swap3A_323], %swap3A_326 {strides = array<i32>} : memref<4x2048xi32, #tpu.memory_space<vmem>>, vector<1x2048xi32>,
    %get3A_327 = arith.constant 3 : index
    %get3A_328 = arith.constant 0 : index
    %get3A_329 = arith.constant 0 : index
    %get3A_330 = vector.load %arg2[%get3A_327, %get3A_328, %get3A_329] : memref<4x128x6xf32, #tpu.memory_space<vmem>>, vector<1x128x6xf32>
    %get3A_331 = vector.shape_cast %get3A_330 : vector<1x128x6xf32> to vector<128x6xf32>
    %get3A_332 = arith.constant 3 : index
    %get3A_333 = arith.constant 0 : index
    %get3A_334 = arith.constant 0 : index
    %get3A_335 = vector.load %arg1[%get3A_332, %get3A_333, %get3A_334] : memref<4x7x2048xf32, #tpu.memory_space<vmem>>, vector<1x7x2048xf32>
    %get3A_336 = vector.shape_cast %get3A_335 : vector<1x7x2048xf32> to vector<7x2048xf32>
    %slice3A_337 = vector.extract_strided_slice %get3A_336 {offsets = [1, 0], sizes = [1, 2048], strides = [1, 1]} : vector<7x2048xf32> to vector<1x2048xf32>
    %slice3A_338 = vector.extract_strided_slice %get3A_336 {offsets = [4, 0], sizes = [1, 2048], strides = [1, 1]} : vector<7x2048xf32> to vector<1x2048xf32>
    %slice3A_339 = vector.extract_strided_slice %get3A_331 {offsets = [0, 0], sizes = [128, 1], strides = [1, 1]} : vector<128x6xf32> to vector<128x1xf32>
    %slice3A_340 = vector.extract_strided_slice %get3A_331 {offsets = [0, 3], sizes = [128, 1], strides = [1, 1]} : vector<128x6xf32> to vector<128x1xf32>
    %min3A_341 = vector.broadcast %slice3A_338 : vector<1x2048xf32> to vector<128x2048xf32>
    %min3A_342 = vector.broadcast %slice3A_340 : vector<128x1xf32> to vector<128x2048xf32>
    %min3A_343 = arith.minimumf %min3A_341, %min3A_342 : vector<128x2048xf32>
    %max3A_344 = vector.broadcast %slice3A_337 : vector<1x2048xf32> to vector<128x2048xf32>
    %max3A_345 = vector.broadcast %slice3A_339 : vector<128x1xf32> to vector<128x2048xf32>
    %max3A_346 = arith.maximumf %max3A_344, %max3A_345 : vector<128x2048xf32>
    %sub3A_347 = arith.subf %min3A_343, %max3A_346 : vector<128x2048xf32>
    %max3A_348 = arith.constant 0.000000e+00 : f32
    %max3A_349 = vector.broadcast %max3A_348 : f32 to vector<128x2048xf32>
    %max3A_350 = arith.maximumf %sub3A_347, %max3A_349 : vector<128x2048xf32>
    %sub3A_351 = arith.subf %slice3A_338, %slice3A_337 : vector<1x2048xf32>
    %max3A_352 = arith.constant 0.000000e+00 : f32
    %max3A_353 = vector.broadcast %max3A_352 : f32 to vector<1x2048xf32>
    %max3A_354 = arith.maximumf %sub3A_351, %max3A_353 : vector<1x2048xf32>
    %sub3A_355 = arith.subf %slice3A_340, %slice3A_339 : vector<128x1xf32>
    %max3A_356 = arith.constant 0.000000e+00 : f32
    %max3A_357 = vector.broadcast %max3A_356 : f32 to vector<128x1xf32>
    %max3A_358 = arith.maximumf %sub3A_355, %max3A_357 : vector<128x1xf32>
    %slice3A_359 = vector.extract_strided_slice %get3A_336 {offsets = [2, 0], sizes = [1, 2048], strides = [1, 1]} : vector<7x2048xf32> to vector<1x2048xf32>
    %slice3A_360 = vector.extract_strided_slice %get3A_336 {offsets = [5, 0], sizes = [1, 2048], strides = [1, 1]} : vector<7x2048xf32> to vector<1x2048xf32>
    %slice3A_361 = vector.extract_strided_slice %get3A_331 {offsets = [0, 1], sizes = [128, 1], strides = [1, 1]} : vector<128x6xf32> to vector<128x1xf32>
    %slice3A_362 = vector.extract_strided_slice %get3A_331 {offsets = [0, 4], sizes = [128, 1], strides = [1, 1]} : vector<128x6xf32> to vector<128x1xf32>
    %min3A_363 = vector.broadcast %slice3A_360 : vector<1x2048xf32> to vector<128x2048xf32>
    %min3A_364 = vector.broadcast %slice3A_362 : vector<128x1xf32> to vector<128x2048xf32>
    %min3A_365 = arith.minimumf %min3A_363, %min3A_364 : vector<128x2048xf32>
    %max3A_366 = vector.broadcast %slice3A_359 : vector<1x2048xf32> to vector<128x2048xf32>
    %max3A_367 = vector.broadcast %slice3A_361 : vector<128x1xf32> to vector<128x2048xf32>
    %max3A_368 = arith.maximumf %max3A_366, %max3A_367 : vector<128x2048xf32>
    %sub3A_369 = arith.subf %min3A_365, %max3A_368 : vector<128x2048xf32>
    %max3A_370 = arith.constant 0.000000e+00 : f32
    %max3A_371 = vector.broadcast %max3A_370 : f32 to vector<128x2048xf32>
    %max3A_372 = arith.maximumf %sub3A_369, %max3A_371 : vector<128x2048xf32>
    %mul3A_373 = arith.mulf %max3A_350, %max3A_372 : vector<128x2048xf32>
    %sub3A_374 = arith.subf %slice3A_360, %slice3A_359 : vector<1x2048xf32>
    %max3A_375 = arith.constant 0.000000e+00 : f32
    %max3A_376 = vector.broadcast %max3A_375 : f32 to vector<1x2048xf32>
    %max3A_377 = arith.maximumf %sub3A_374, %max3A_376 : vector<1x2048xf32>
    %mul3A_378 = arith.mulf %max3A_354, %max3A_377 : vector<1x2048xf32>
    %sub3A_379 = arith.subf %slice3A_362, %slice3A_361 : vector<128x1xf32>
    %max3A_380 = arith.constant 0.000000e+00 : f32
    %max3A_381 = vector.broadcast %max3A_380 : f32 to vector<128x1xf32>
    %max3A_382 = arith.maximumf %sub3A_379, %max3A_381 : vector<128x1xf32>
    %mul3A_383 = arith.mulf %max3A_358, %max3A_382 : vector<128x1xf32>
    %slice3A_384 = vector.extract_strided_slice %get3A_336 {offsets = [3, 0], sizes = [1, 2048], strides = [1, 1]} : vector<7x2048xf32> to vector<1x2048xf32>
    %slice3A_385 = vector.extract_strided_slice %get3A_336 {offsets = [6, 0], sizes = [1, 2048], strides = [1, 1]} : vector<7x2048xf32> to vector<1x2048xf32>
    %slice3A_386 = vector.extract_strided_slice %get3A_331 {offsets = [0, 2], sizes = [128, 1], strides = [1, 1]} : vector<128x6xf32> to vector<128x1xf32>
    %slice3A_387 = vector.extract_strided_slice %get3A_331 {offsets = [0, 5], sizes = [128, 1], strides = [1, 1]} : vector<128x6xf32> to vector<128x1xf32>
    %min3A_388 = vector.broadcast %slice3A_385 : vector<1x2048xf32> to vector<128x2048xf32>
    %min3A_389 = vector.broadcast %slice3A_387 : vector<128x1xf32> to vector<128x2048xf32>
    %min3A_390 = arith.minimumf %min3A_388, %min3A_389 : vector<128x2048xf32>
    %max3A_391 = vector.broadcast %slice3A_384 : vector<1x2048xf32> to vector<128x2048xf32>
    %max3A_392 = vector.broadcast %slice3A_386 : vector<128x1xf32> to vector<128x2048xf32>
    %max3A_393 = arith.maximumf %max3A_391, %max3A_392 : vector<128x2048xf32>
    %sub3A_394 = arith.subf %min3A_390, %max3A_393 : vector<128x2048xf32>
    %max3A_395 = arith.constant 0.000000e+00 : f32
    %max3A_396 = vector.broadcast %max3A_395 : f32 to vector<128x2048xf32>
    %max3A_397 = arith.maximumf %sub3A_394, %max3A_396 : vector<128x2048xf32>
    %mul3A_398 = arith.mulf %mul3A_373, %max3A_397 : vector<128x2048xf32>
    %sub3A_399 = arith.subf %slice3A_385, %slice3A_384 : vector<1x2048xf32>
    %max3A_400 = arith.constant 0.000000e+00 : f32
    %max3A_401 = vector.broadcast %max3A_400 : f32 to vector<1x2048xf32>
    %max3A_402 = arith.maximumf %sub3A_399, %max3A_401 : vector<1x2048xf32>
    %mul3A_403 = arith.mulf %mul3A_378, %max3A_402 : vector<1x2048xf32>
    %sub3A_404 = arith.subf %slice3A_387, %slice3A_386 : vector<128x1xf32>
    %max3A_405 = arith.constant 0.000000e+00 : f32
    %max3A_406 = vector.broadcast %max3A_405 : f32 to vector<128x1xf32>
    %max3A_407 = arith.maximumf %sub3A_404, %max3A_406 : vector<128x1xf32>
    %mul3A_408 = arith.mulf %mul3A_383, %max3A_407 : vector<128x1xf32>
    %add3A_409 = vector.broadcast %mul3A_403 : vector<1x2048xf32> to vector<128x2048xf32>
    %add3A_410 = vector.broadcast %mul3A_408 : vector<128x1xf32> to vector<128x2048xf32>
    %add3A_411 = arith.addf %add3A_409, %add3A_410 : vector<128x2048xf32>
    %sub3A_412 = arith.subf %add3A_411, %mul3A_398 : vector<128x2048xf32>
    %div3A_413 = arith.divf %mul3A_398, %sub3A_412 : vector<128x2048xf32>
    %reduce_max3A_414 = arith.constant dense<0xFF800000> : vector<2048xf32>
    %reduce_max3A_415 = vector.multi_reduction <maximumf>, %div3A_413, %reduce_max3A_414 [0] : vector<128x2048xf32> to vector<2048xf32>
    %broadcast_in_dim3A_416 = vector.shape_cast %reduce_max3A_415 : vector<2048xf32> to vector<1x2048xf32>
    %squeeze3A_417 = vector.shape_cast %broadcast_in_dim3A_416 : vector<1x2048xf32> to vector<2048xf32>
    %ge3A_418 = arith.constant 5.000000e-01 : f32
    %ge3A_419 = vector.broadcast %ge3A_418 : f32 to vector<2048xf32>
    %ge3A_420 = arith.cmpf oge, %squeeze3A_417, %ge3A_419 : vector<2048xf32>
    %convert_element_type3A_421 = arith.extui %ge3A_420 : vector<2048xi1> to vector<2048xi32>
    %swap3A_422 = arith.constant 3 : index
    %swap3A_423 = arith.constant 0 : index
    %swap3A_424 = vector.load %arg3[%swap3A_422, %swap3A_423] : memref<4x2048xi32, #tpu.memory_space<vmem>>, vector<1x2048xi32>
    %swap3A_425 = vector.shape_cast %swap3A_424 : vector<1x2048xi32> to vector<2048xi32>
    %swap3A_426 = vector.shape_cast %convert_element_type3A_421 : vector<2048xi32> to vector<1x2048xi32>
    tpu.vector_store %arg3[%swap3A_422, %swap3A_423], %swap3A_426 {strides = array<i32>} : memref<4x2048xi32, #tpu.memory_space<vmem>>, vector<1x2048xi32>,
    %eq3A_427 = vector.broadcast %broadcast_in_dim3A_416 : vector<1x2048xf32> to vector<128x2048xf32>
    %eq3A_428 = arith.cmpf oeq, %div3A_413, %eq3A_427 : vector<128x2048xf32>
    %jit3A_429 = arith.constant 128 : i32
    %broadcast_in_dim3A_430 = vector.broadcast %jit3A_429 : i32 to vector<128x2048xi32>
    %select_n3A_431 = arith.select %eq3A_428, %iota3A, %broadcast_in_dim3A_430 : vector<128x2048xi1>, vector<128x2048xi32>
    %reduce_min3A_432 = arith.constant dense<2147483647> : vector<2048xi32>
    %reduce_min3A_433 = vector.multi_reduction <minsi>, %select_n3A_431, %reduce_min3A_432 [0] : vector<128x2048xi32> to vector<2048xi32>
    %add3A_434 = arith.constant 384 : i32
    %add3A_435 = vector.broadcast %add3A_434 : i32 to vector<2048xi32>
    %add3A_436 = arith.addi %reduce_min3A_433, %add3A_435 : vector<2048xi32>
    %swap3A_437 = arith.constant 3 : index
    %swap3A_438 = arith.constant 0 : index
    %swap3A_439 = vector.load %arg4[%swap3A_437, %swap3A_438] : memref<4x2048xi32, #tpu.memory_space<vmem>>, vector<1x2048xi32>
    %swap3A_440 = vector.shape_cast %swap3A_439 : vector<1x2048xi32> to vector<2048xi32>
    %swap3A_441 = vector.shape_cast %add3A_436 : vector<2048xi32> to vector<1x2048xi32>
    tpu.vector_store %arg4[%swap3A_437, %swap3A_438], %swap3A_441 {strides = array<i32>} : memref<4x2048xi32, #tpu.memory_space<vmem>>, vector<1x2048xi32>,
    return
  }
  func.func @transform_0(%arg0: i32) -> (i32, i32, i32) {
    %c0_i32 = arith.constant 0 : i32
    %c0_i32_0 = arith.constant 0 : i32
    %c0_i32_1 = arith.constant 0 : i32
    return %c0_i32, %c0_i32_0, %arg0 : i32, i32, i32
  }
  func.func @transform_1(%arg0: i32) -> (i32, i32, i32) {
    %c0_i32 = arith.constant 0 : i32
    %c0_i32_0 = arith.constant 0 : i32
    %c0_i32_1 = arith.constant 0 : i32
    %c0_i32_2 = arith.constant 0 : i32
    return %c0_i32, %c0_i32_0, %c0_i32_1 : i32, i32, i32
  }
  func.func @transform_2(%arg0: i32) -> (i32, i32) {
    %c0_i32 = arith.constant 0 : i32
    %c0_i32_0 = arith.constant 0 : i32
    return %c0_i32, %arg0 : i32, i32
  }
  func.func @transform_3(%arg0: i32) -> (i32, i32) {
    %c0_i32 = arith.constant 0 : i32
    %c0_i32_0 = arith.constant 0 : i32
    return %c0_i32, %arg0 : i32, i32
  }
}

</mosaic_0001>

<sc_bundles>
// kernel: kernel.4.cloned.1.call-start
scs
__scs_entry_jumppad:
0x0: {  	(pc) =	sbr.rel $0x88, $3  }
0x1: {  	(tag) =	ssettag $0x0;
	lr =	simm.s32 $0x1  }
0x2: {  	[smem:$0x3F9F] =	sst lr;
	_ =	strace $0xD0000000  }
0x3: {  	_ = 	snop  }
0x4: {  	_ = 	snop  }
0x5: {  	_ = 	snop  }
0x6: {  	_ = 	snop  }
0x7: {  	_ = 	snop  }
__scs_overlays_trampoline_lowered:
0x8: {  	[smem:$0x3FAE] =	sst s0  }
0x9: {  	[smem:$0x3FAF] =	sst s1  }
0xa: {  	[smem:$0x3FB0] =	sst s2  }
0xb: {  	[smem:$0x3FB1] =	sst s3  }
0xc: {  	[smem:$0x3FB2] =	sst s4  }
0xd: {  	[smem:$0x3FB3] =	sst s5  }
0xe: {  	[smem:$0x3FB4] =	sst s6  }
0xf: {  	[smem:$0x3FB5] =	sst s7  }
0x10: {  	[smem:$0x3FB6] =	sst s8  }
0x11: {  	[smem:$0x3FB7] =	sst s9;
	s0 =	simm.s32 @!p0 $0x0  }
0x12: {  	s1 =	sld [smem:$0x3F9D];
	s0 =	simm.s32 @p0 $0x1  }
0x13: {  	[smem:$0x3FB8] =	sst s0;
	s0 =	simm.s32 @!p1 $0x0  }
0x14: {  	s2 =	sld [smem:$0x3F9C];
	s0 =	simm.s32 @p1 $0x1  }
0x15: {  	[smem:$0x3FB9] =	sst s0;
	s0 =	simm.s32 @!p2 $0x0  }
0x16: {  	s3 =	sld [smem:$0x3FDB];
	s0 =	simm.s32 @p2 $0x1  }
0x17: {  	s4 =	simm.s32 $0x1BF5;
	[smem:$0x3FBB] =	sst s0  }
0x18: {  	s0 =	sld [smem:$0x3F9E];
	_ =	swait.ge [sflag:s4], $0x0  }
0x19: {  	s7 =	sld [smem:$0x3F9F]  }
0x1a: {  	s8 =	sadd.s32 $0xFFFFE003, lr  }
0x1b: {  	s9 =	sadd.s32 $0xFFFFFEF7, lr;
	s5 =	simm.s32 $0xFFFFFFFF;
	p2 =	slt.u32 s8, $0xFFFFF086  }
0x1c: {  	p1 =	slt.u32 s9, $0xF7A;
	s5 =	simm.s32 @!p2 $0x0  }
0x1d: {  	s5 =	simm.s32 @p1 $0x1;
	p0 =	seq.s32 s7, s2  }
0x1e: {  	s7 =	smul.u32 @!p0 $0xF7A, s2;
	p2 =	seq.s32 @!p0 s5, $0x0  }
0x1f: {  	s9 =	smul.u32 $0xF7A, s1;
	s8 =	simm.s32 @!p0 $0x1BF5;
	p2 =	por !p2, p0  }
0x20: {  	[sflag:s8] =	ssyncset.s32 @!p0 $0xFFFFF086;
	s6 =	sadd.s32 @!p0 s3, s7;
	s7 =	simm.s32 @!p0 $0x108  }
0x21: {  	s3 =	sadd.s32 s3, s9;
	s6 =	sadd.s32 @!p0 $0x88, s6;
	s7 =	simm.s32 @p2 $0x1082  }
0x22: {  	[simem:s7], [sflag:s8] =	dma.local @!p0 [hbm:s6], $0xF7A  }
0x23: {  	s9 =	sor.u32 $0xD0000000, s2;
	s6 =	simm.s32 $0x108;
	_ =	swait.ge @!p0 [sflag:s8], $0x0  }
0x24: {  	s3 =	sadd.s32 $0x88, s3;
	s6 =	simm.s32 @!p1 $0x1082;
	[sflag:s4] =	ssyncset.s32 $0xFFFFF086  }
0x25: {  	[simem:s6], [sflag:s4] =	dma.local [hbm:s3], $0xF7A  }
0x26: {  	[smem:$0x3F9F] =	sst s1;
	(tag) =	ssettag s2;
	_ =	strace s9  }
0x27: {  	s1 =	sld [smem:$0x3FAF]  }
0x28: {  	s2 =	sld [smem:$0x3FB0]  }
0x29: {  	s4 =	sld [smem:$0x3FB2]  }
0x2a: {  	p0 =	seq.s32 s5, $0x0;
	s5 =	sld [smem:$0x3FB3]  }
0x2b: {  	s6 =	sld [smem:$0x3FB4]  }
0x2c: {  	s7 =	sld [smem:$0x3FB5]  }
0x2d: {  	s3 =	simm.s32 $0x108;
	s8 =	sld [smem:$0x3FB6]  }
0x2e: {  	s3 =	simm.s32 @!p0 $0x1082;
	s9 =	sld [smem:$0x3FB7]  }
0x2f: {  	lr =	sadd.s32 s0, s3;
	s0 =	sld [smem:$0x3FAE]  }
0x30: {  	s3 =	sld [smem:$0x3FB1]  }
0x31: {  	[smem:$0x3FBA] =	sst s10  }
0x32: {  	s10 =	sld [smem:$0x3FB8];
	_ =	sdelay $0x3  }
0x33: {  	p0 =	seq.s32 s10, $0x1;
	s10 =	sld [smem:$0x3FBA];
	_ =	sdelay $0x3  }
0x34: {  	[smem:$0x3FBA] =	sst s10  }
0x35: {  	s10 =	sld [smem:$0x3FB9];
	_ =	sdelay $0x3  }
0x36: {  	p1 =	seq.s32 s10, $0x1;
	s10 =	sld [smem:$0x3FBA];
	_ =	sdelay $0x3  }
0x37: {  	[smem:$0x3FBA] =	sst s10  }
0x38: {  	s10 =	sld [smem:$0x3FBB]  }
0x39: {  	_ = 	snop;
	(pc) =	sbr.ind lr, $3  }
0x3a: {  	_ = 	snop  }
0x3b: {  	_ = 	snop  }
0x3c: {  	p2 =	seq.s32 s10, $0x1;
	s10 =	sld [smem:$0x3FBA]  }
0x3d: {  	_ =	shalt  }
0x3e: {  	_ =	shalt  }
0x3f: {  	_ =	shalt  }
0x40: {  	_ =	shalt  }
0x41: {  	_ =	shalt  }
0x42: {  	_ =	shalt  }
0x43: {  	_ =	shalt  }
0x44: {  	_ =	shalt  }
0x45: {  	_ =	shalt  }
0x46: {  	_ =	shalt  }
0x47: {  	_ =	shalt  }
0x48: {  	_ =	shalt  }
0x49: {  	_ =	shalt  }
0x4a: {  	_ =	shalt  }
0x4b: {  	_ =	shalt  }
0x4c: {  	_ =	shalt  }
0x4d: {  	_ =	shalt  }
0x4e: {  	_ =	shalt  }
0x4f: {  	_ =	shalt  }
0x50: {  	_ =	shalt  }
0x51: {  	_ =	shalt  }
0x52: {  	_ =	shalt  }
0x53: {  	_ =	shalt  }
0x54: {  	_ =	shalt  }
0x55: {  	_ =	shalt  }
0x56: {  	_ =	shalt  }
0x57: {  	_ =	shalt  }
0x58: {  	_ =	shalt  }
0x59: {  	_ =	shalt  }
0x5a: {  	_ =	shalt  }
0x5b: {  	_ =	shalt  }
0x5c: {  	_ =	shalt  }
0x5d: {  	_ =	shalt  }
0x5e: {  	_ =	shalt  }
0x5f: {  	_ =	shalt  }
0x60: {  	_ =	shalt  }
0x61: {  	_ =	shalt  }
0x62: {  	_ =	shalt  }
0x63: {  	_ =	shalt  }
0x64: {  	_ =	shalt  }
0x65: {  	_ =	shalt  }
0x66: {  	_ =	shalt  }
0x67: {  	_ =	shalt  }
0x68: {  	_ =	shalt  }
0x69: {  	_ =	shalt  }
0x6a: {  	_ =	shalt  }
0x6b: {  	_ =	shalt  }
0x6c: {  	_ =	shalt  }
0x6d: {  	_ =	shalt  }
0x6e: {  	_ =	shalt  }
0x6f: {  	_ =	shalt  }
0x70: {  	_ =	shalt  }
0x71: {  	_ =	shalt  }
0x72: {  	_ =	shalt  }
0x73: {  	_ =	shalt  }
0x74: {  	_ =	shalt  }
0x75: {  	_ =	shalt  }
0x76: {  	_ =	shalt  }
0x77: {  	_ =	shalt  }
0x78: {  	_ =	shalt  }
0x79: {  	_ =	shalt  }
0x7a: {  	_ =	shalt  }
0x7b: {  	_ =	shalt  }
0x7c: {  	_ =	shalt  }
0x7d: {  	_ =	shalt  }
0x7e: {  	_ =	shalt  }
0x7f: {  	_ =	shalt  }
0x80: {  	_ =	shalt  }
0x81: {  	_ =	shalt  }
0x82: {  	_ =	shalt  }
0x83: {  	_ =	shalt  }
0x84: {  	_ =	shalt  }
0x85: {  	_ =	shalt  }
0x86: {  	_ =	shalt  }
0x87: {  	_ =	shalt  }
.Lfunc_end0:
.L_simem_size_0:
called_computation_lowered:
.L_overlay_start_0:
0x88: {  	s2 =	sld [smem:$0x3FD9]  }
0x89: {  	s3 =	sld [smem:$0x3FFE];
	_ =	sdelay $0x1  }
0x8a: {  	s1 =	srdreg.scid  }
0x8b: {  	s0 =	sand.u32 $0x1, s1  }
0x8c: {  	s14 =	sshll.u32 s0, $0xA;
	s2 =	sadd.s32 s3, s2  }
0x8d: {  	s2 =	sadd.s32 s2, s14  }
0x8e: {  	[smem:$0x3FC6] =	sst s2  }
0x8f: {  	_ = 	snop  }
0x90: {  	s2 =	sld [smem:$0x3FD0];
	_ =	sdelay $0x2  }
0x91: {  	s15 =	simm.s32 $0xA;
	s4 =	simm.s32 $0x10  }
0x92: {  	[smem:s4], [sflag:s15] =	dma.local [hbm:s2], $0x1  }
0x93: {  	_ =	swait.eq [sflag:s15], $0x1  }
0x94: {  	[sflag:s15] =	ssyncset.done $0x0  }
0x95: {  	s16 =	sld [smem:$0x11];
	[sflag:s15] =	ssyncadd.s32 $0xFFFFFFFF  }
0x96: {  	s17 =	sld [smem:$0x12];
	(tm) =	ssettm $0x1  }
0x97: {  	s18 =	sld [smem:$0x3FFB];
	_ =	sdelay $0x3  }
0x98: {  	_ =	strace s18  }
0x99: {  	s4 =	sld [smem:$0x3FFC];
	_ =	sdelay $0x3  }
0x9a: {  	_ =	strace s4  }
0x9b: {  	s4 =	sld [smem:$0x3FFD];
	_ =	sdelay $0x3  }
0x9c: {  	_ =	strace s4  }
0x9d: {  	_ =	strace $0x8FFFFFFF  }
0x9e: {  	s19 =	sld [smem:$0x3FDB];
	_ =	sdelay $0x1  }
0x9f: {  	s5 =	simm.s32 $_scs_section_size  }
0xa0: {  	s6 =	simm.s32 $_size__tile_overlayer_lowered;
	s7 =	simm.s32 $_tile_overlayer_lowered  }
0xa1: {  	s22 =	simm.s32 $0x1BFF;
	s21 =	sshll.u32 s7, $0x1;
	s4 =	sadd.s32 s5, s19  }
0xa2: {  	s8 =	simm.s32 $0x0;
	s20 =	sshll.u32 s6, $0x1;
	s6 =	sadd.s32 s21, s4  }
0xa3: {  	[timem:s8], [sflag:s22] =	dma.local [hbm:s6], s20  }
0xa4: {  	_ =	swait.ge [sflag:s22], s20  }
0xa5: {  	s5 =	ssub.s32 $0x0, s20;
	[sflag:s22] =	ssyncset.done $0x0  }
0xa6: {  	[sflag:s22] =	ssyncadd.s32 s5;
	_ =	sdelay $0x1  }
0xa7: {  	s23 =	simm.s32 $0x1B8B  }
0xa8: {  	_ =	swait.ge [sflag:s23], $0x1  }
0xa9: {  	[sflag:s23] =	ssyncset.done $0x0  }
0xaa: {  	s25 =	simm.s32 $0x1B8E;
	s24 =	sld [smem:$0x3FFE];
	[sflag:s23] =	ssyncadd.s32 $0xFFFFFFFF  }
0xab: {  	s26 =	simm.s32 $execute0_lowered;
	[smem:$0x3FD2] =	sst s25  }
0xac: {  	s6 =	sshll.u32 s26, $0x1;
	_ =	strace $0x80000046;
	[dreg:$0x1] =	wrdreg $0xFFFFFFFF  }
0xad: {  	s28 =	simm.s32 $_size_execute0_lowered;
	s4 =	sadd.s32 s4, s6;
	[dreg:$0x0] =	wrdreg $0x0  }
0xae: {  	s6 =	sshll.u32 s28, $0x1;
	[dreg:$0x2] =	wrdreg s4  }
0xaf: {  	[dreg:$0x3] =	wrdreg s6  }
0xb0: {  	[dreg:$0x4] =	wrdreg $0xC0  }
0xb1: {  	_ =	task [dreg:s8], $0x5FFFF  }
0xb2: {  	[dreg:$0x1] =	wrdreg $0xFFFFFFFF  }
0xb3: {  	[dreg:$0x0] =	wrdreg $0x60  }
0xb4: {  	[dreg:$0x2] =	wrdreg s24  }
0xb5: {  	[dreg:$0x3] =	wrdreg s17  }
0xb6: {  	[dreg:$0x4] =	wrdreg s16  }
0xb7: {  	[dreg:$0x5] =	wrdreg $0x9  }
0xb8: {  	_ =	task.clear_ibuf [dreg:s8], $0x6FFFF;
	_ =	strace $0x90000046  }
0xb9: {  	s29 =	simm.s32 $0x9;
	_ =	strace $0x80000048  }
0xba: {  	_ =	swait.ge [sflag:s29], $0x1  }
0xbb: {  	[sflag:s29] =	ssyncadd.s32 $0xFFFFFFFF  }
0xbc: {  	_ =	strace $0x90000048  }
0xbd: {  	_ =	sfence  }
0xbe: {  	s30 =	sld [smem:$0x0];
	_ =	sdelay $0x2  }
0xbf: {  	s31 =	sshll.u32 s1, $0xD;
	s1 =	sshrl.u32 s1, $0x2  }
0xc0: {  	s3 =	sand.u32 $0x4000, s31;
	s1 =	sadd.s32 s1, s30  }
0xc1: {  	s0 =	sor.u32 s3, s0;
	s1 =	sshll.u32 s1, $0x11  }
0xc2: {  	s0 =	sor.u32 s1, s0  }
0xc3: {  	s0 =	sadd.s32 $0x8F2B, s0  }
0xc4: {  	[sflag:s0] =	ssyncadd.remote.s32 $0x1  }
0xc5: {  	_ =	sfence.sel $0xFFFF  }
0xc6: {  	[dreg:$0x0] =	wrdreg $0xFFFFFFFF;
	(pc) =	sbr.abs _section_cstart, $3  }
0xc7: {  	[dreg:$0x1] =	wrdreg $0xFFFFFFFF  }
0xc8: {  	_ =	task.clear_ibuf [dreg:s8], $0x2FFFF;
	_ =	strace $0x9FFFFFFF  }
0xc9: {  	(tm) =	ssettm $0x7FFFFFFF  }
tec
execute0_lowered:
.L_overlay_start_1:
0x0: {  	(tag) =	ssettag $0x1  }
0x1: {  	s3 =	rddreg [dreg:$0x0]  }
0x2: {  	s1 =	srdreg.scid;
	s4 =	rddreg [dreg:$0x1]  }
0x3: {  	s0 =	stileid.u32;
	s6 =	rddreg [dreg:$0x2];
	s2 =	simm.s32 $0x0  }
0x4: {  	s12 =	simm.s32 $0x44B0;
	s13 =	simm.s32 $0x1;
	s14 =	simm.s32 $0x9D0  }
0x5: {  	s15 =	simm.s32 $0x13A0;
	s5 =	sand.u32 $0x1, s1;
	s31 =	sshll.u32 s0, $0x1  }
0x6: {  	s16 =	simm.s32 $0x1D70;
	s17 =	simm.s32 $0x2740;
	s7 =	sor.u32 s5, s31  }
0x7: {  	s18 =	simm.s32 $0x3110;
	s19 =	simm.s32 $0x3AE0;
	s7 =	smul.u32 $0x9D0, s7  }
0x8: {  	s20 =	simm.s32 $0x0;
	s1 =	rddreg [dreg:$0x3];
	s5 =	ssub.s32 $0x2, s5  }
0x9: {  	[smem:$0x7FF] =	sst s2;
	s8 =	sshrl.u32 s5, $0x1;
	s7 =	smin.u32 s7, $0x12EB0  }
0xa: {  	v0 =	vlaneseq.u32;
	s3 =	sadd.s32 $0x800, s3;
	s11 =	ssub.s32 s5, s8;
	s7 =	sshrl.u32 s7, $0x3  }
0xb: {  	v1 =	vand.u32 $0x7, v0;
	_ =	strace $0x80000047;
	s11 =	smax.u32 s11, $0x1;
	s5 =	sadd.s32 s6, s7  }
0xc: {  	v3 =	vor.u32 $0x9D0, v0;
	v4 =	vor.u32 $0x13A0, v0;
	v5 =	vor.u32 $0x1D70, v0;
	s4 =	sadd.s32 s4, s7;
	s6 =	sadd.s32 $0x2710, s5;
	s7 =	sadd.s32 $0x4E20, s5  }
0xd: {  	v6 =	vor.u32 $0x2740, v0;
	v7 =	vor.u32 $0x3110, v0;
	v2 =	vor.u32 $0xFFFFFFF8, v1;
	s8 =	sadd.s32 $0x7530, s5;
	s9 =	sadd.s32 $0x9C40, s5;
	s10 =	sadd.s32 $0xC350, s5  }
.LBB2_1:
0xe: {  	[tilespmem:s12], [sflag:$0x1] =	stream.linear.gather [hbm4b:s3+s2], $0xC00, $0x38;
	[tilespmem:$0x50B0] =	vst v63  }
0xf: {  	_ =	swait.ge [sflag:s13], $0xC00  }
0x10: {  	[sflag:s13] =	ssyncset.done $0x0  }
0x11: {  	[sflag:s13] =	ssyncadd.s32 $0xFFFFF400  }
0x12: {  	[tilespmem:s2], [sflag:$0x1] =	stream.linear.gather [hbm4b:s4+s2], $0x9D0, $0x38;
	[tilespmem:$0x50B0] =	vst v63  }
0x13: {  	_ =	swait.ge [sflag:s13], $0x9D0  }
0x14: {  	[sflag:s13] =	ssyncset.done $0x0  }
0x15: {  	[sflag:s13] =	ssyncadd.s32 $0xFFFFF630  }
0x16: {  	v8 =	vld [tilespmem:s2+$0x0];
	_ =	sdelay $0x4  }
0x17: {  	v8 =	vmul.u32 $0x6, v8;
	_ =	sdelay $0x4  }
0x18: {  	v9 =	vor.u32 s2, v0  }
0x19: {  	v9 =	vand.u32 v2, v9;
	v10 =	vld.idx.msk [tilespmem:v8+s12+$0x0], $0xffff  }
0x1a: {  	v11 =	vor.u32 $0x1, v8;
	_ =	sdelay $0x2  }
0x1b: {  	v12 =	vadd.s32 s2, v3  }
0x1c: {  	[tilespmem:v9+s14+$0x0] =	vst.idx.msk $0xffff, v10;
	v9 =	vand.u32 $0x1FF8, v12  }
0x1d: {  	v10 =	vld.idx.msk [tilespmem:v11+s12+$0x0], $0xffff;
	v9 =	vor.u32 v1, v9  }
0x1e: {  	v11 =	vadd.s32 $0x2, v8;
	_ =	sdelay $0x2  }
0x1f: {  	v61 =	vadd.s32 s2, v4  }
0x20: {  	[tilespmem:v9+s14+$0x0] =	vst.idx.msk $0xffff, v10;
	v9 =	vand.u32 $0x3FF8, v61  }
0x21: {  	v10 =	vld.idx.msk [tilespmem:v11+s12+$0x0], $0xffff;
	v9 =	vor.u32 v1, v9  }
0x22: {  	v11 =	vadd.s32 $0x3, v8;
	_ =	sdelay $0x2  }
0x23: {  	v62 =	vadd.s32 s2, v5  }
0x24: {  	[tilespmem:v9+s14+$0x0] =	vst.idx.msk $0xffff, v10;
	v9 =	vand.u32 $0x3FF8, v62  }
0x25: {  	v10 =	vld.idx.msk [tilespmem:v11+s12+$0x0], $0xffff;
	v9 =	vor.u32 v1, v9  }
0x26: {  	v11 =	vadd.s32 $0x4, v8;
	_ =	sdelay $0x2  }
0x27: {  	v63 =	vadd.s32 s2, v6  }
0x28: {  	[tilespmem:v9+s14+$0x0] =	vst.idx.msk $0xffff, v10;
	v9 =	vand.u32 $0x3FF8, v63  }
0x29: {  	v10 =	vld.idx.msk [tilespmem:v11+s12+$0x0], $0xffff;
	v9 =	vor.u32 v1, v9  }
0x2a: {  	v8 =	vadd.s32 $0x5, v8;
	_ =	sdelay $0x2  }
0x2b: {  	v11 =	vadd.s32 s2, v7  }
0x2c: {  	[tilespmem:v9+s14+$0x0] =	vst.idx.msk $0xffff, v10;
	v9 =	vand.u32 $0x7FF8, v11  }
0x2d: {  	s21 =	simm.s32 $0x10;
	s22 =	simm.s32 $0x0;
	v8 =	vld.idx.msk [tilespmem:v8+s12+$0x0], $0xffff;
	v9 =	vor.u32 v1, v9  }
.LBB2_2:
0x2e: {  	_ =	sdelay $0x2  }
0x2f: {  	p0 =	sne.s32 s21, $0x9C0  }
0x30: {  	s22 =	sadd.s32 $0x10, s22;
	s23 =	smov.u32 s21;
	s21 =	sadd.s32 $0x10, s21;
	[tilespmem:v9+s14+$0x0] =	vst.idx.msk $0xffff, v8  }
0x31: {  	v8 =	vld [tilespmem:s22+$0x0];
	_ =	sdelay $0x4  }
0x32: {  	v8 =	vmul.u32 $0x6, v8;
	_ =	sdelay $0x5  }
0x33: {  	v9 =	vor.u32 s23, v0;
	v10 =	vld.idx.msk [tilespmem:v8+s12+$0x0], $0xffff  }
0x34: {  	v9 =	vand.u32 v2, v9  }
0x35: {  	v11 =	vor.u32 $0x1, v8;
	_ =	sdelay $0x3  }
0x36: {  	[tilespmem:v9+s14+$0x0] =	vst.idx.msk $0xffff, v10;
	v9 =	vadd.s32 s23, v3  }
0x37: {  	v10 =	vld.idx.msk [tilespmem:v11+s12+$0x0], $0xffff;
	v9 =	vand.u32 $0x1FF8, v9  }
0x38: {  	v9 =	vor.u32 v1, v9  }
0x39: {  	v11 =	vadd.s32 $0x2, v8;
	_ =	sdelay $0x3  }
0x3a: {  	[tilespmem:v9+s14+$0x0] =	vst.idx.msk $0xffff, v10;
	v9 =	vadd.s32 s23, v4  }
0x3b: {  	v10 =	vld.idx.msk [tilespmem:v11+s12+$0x0], $0xffff;
	v9 =	vand.u32 $0x3FF8, v9  }
0x3c: {  	v9 =	vor.u32 v1, v9  }
0x3d: {  	v11 =	vadd.s32 $0x3, v8;
	_ =	sdelay $0x3  }
0x3e: {  	[tilespmem:v9+s14+$0x0] =	vst.idx.msk $0xffff, v10;
	v9 =	vadd.s32 s23, v5  }
0x3f: {  	v10 =	vld.idx.msk [tilespmem:v11+s12+$0x0], $0xffff;
	v9 =	vand.u32 $0x3FF8, v9  }
0x40: {  	v9 =	vor.u32 v1, v9  }
0x41: {  	v11 =	vadd.s32 $0x4, v8;
	_ =	sdelay $0x3  }
0x42: {  	[tilespmem:v9+s14+$0x0] =	vst.idx.msk $0xffff, v10;
	v9 =	vadd.s32 s23, v6  }
0x43: {  	v10 =	vld.idx.msk [tilespmem:v11+s12+$0x0], $0xffff;
	v9 =	vand.u32 $0x3FF8, v9  }
0x44: {  	v9 =	vor.u32 v1, v9  }
0x45: {  	v8 =	vadd.s32 $0x5, v8;
	_ =	sdelay $0x1  }
.Ltmp0:
0x46: {  	(pc) =	sbr.rel @p0 .LBB2_2-.Ltmp0, $4  }
0x47: {  	_ = 	snop  }
0x48: {  	[tilespmem:v9+s14+$0x0] =	vst.idx.msk $0xffff, v10;
	v9 =	vadd.s32 s23, v7  }
0x49: {  	v8 =	vld.idx.msk [tilespmem:v8+s12+$0x0], $0xffff;
	v9 =	vand.u32 $0x7FF8, v9  }
0x4a: {  	v9 =	vor.u32 v1, v9  }
0x4b: {  	_ =	sdelay $0x3  }
0x4c: {  	[tilespmem:v9+s14+$0x0] =	vst.idx.msk $0xffff, v8  }
0x4d: {  	[hbm4b:s5+s2] =	stream.linear.scatter [tilespmem:s14], [sflag:$0x1], $0x9D0, $0x38;
	[tilespmem:$0x50B0] =	vst v63  }
0x4e: {  	_ =	swait.ge [sflag:s13], $0x9D0  }
0x4f: {  	[sflag:s13] =	ssyncset.done $0x0  }
0x50: {  	[sflag:s13] =	ssyncadd.s32 $0xFFFFF630  }
0x51: {  	[hbm4b:s6+s2] =	stream.linear.scatter [tilespmem:s15], [sflag:$0x1], $0x9D0, $0x38;
	[tilespmem:$0x50B0] =	vst v63  }
0x52: {  	_ =	swait.ge [sflag:s13], $0x9D0  }
0x53: {  	[sflag:s13] =	ssyncset.done $0x0  }
0x54: {  	[sflag:s13] =	ssyncadd.s32 $0xFFFFF630  }
0x55: {  	[hbm4b:s7+s2] =	stream.linear.scatter [tilespmem:s16], [sflag:$0x1], $0x9D0, $0x38;
	[tilespmem:$0x50B0] =	vst v63  }
0x56: {  	_ =	swait.ge [sflag:s13], $0x9D0  }
0x57: {  	[sflag:s13] =	ssyncset.done $0x0  }
0x58: {  	[sflag:s13] =	ssyncadd.s32 $0xFFFFF630  }
0x59: {  	[hbm4b:s8+s2] =	stream.linear.scatter [tilespmem:s17], [sflag:$0x1], $0x9D0, $0x38;
	[tilespmem:$0x50B0] =	vst v63  }
0x5a: {  	_ =	swait.ge [sflag:s13], $0x9D0  }
0x5b: {  	[sflag:s13] =	ssyncset.done $0x0  }
0x5c: {  	[sflag:s13] =	ssyncadd.s32 $0xFFFFF630  }
0x5d: {  	[hbm4b:s9+s2] =	stream.linear.scatter [tilespmem:s18], [sflag:$0x1], $0x9D0, $0x38;
	[tilespmem:$0x50B0] =	vst v63  }
0x5e: {  	s20 =	sadd.s32 $0x1, s20;
	_ =	swait.ge [sflag:s13], $0x9D0  }
0x5f: {  	p0 =	sne.s32 s20, s11;
	[sflag:s13] =	ssyncset.done $0x0  }
.Ltmp1:
0x60: {  	[sflag:s13] =	ssyncadd.s32 $0xFFFFF630;
	(pc) =	sbr.rel @p0 .LBB2_1-.Ltmp1, $4  }
0x61: {  	[hbm4b:s10+s2] =	stream.linear.scatter [tilespmem:s19], [sflag:$0x1], $0x9D0, $0x38;
	[tilespmem:$0x50B0] =	vst v63  }
0x62: {  	_ =	swait.ge [sflag:s13], $0x9D0  }
0x63: {  	[sflag:s13] =	ssyncset.done $0x0  }
0x64: {  	[sflag:s13] =	ssyncadd.s32 $0xFFFFF630  }
0x65: {  	_ =	sfence.sel $0x180000  }
0x66: {  	[bflag:$0x0] =	sbarrier.arrive $0xFFFF  }
0x67: {  	p0 =	sne.s32 s0, $0x0;
	_ =	strace $0x90000047  }
0x68: {  	s0 =	sadd.s32 @!p0 $0x100000, s1;
	[bflag:$0x2] =	sbarrier.arrive $0xFFFF  }
0x69: {  	[sflag:s0] =	ssyncadd.tile.s32 @!p0 $0x1;
	_ =	shalt  }
.Lfunc_end2:
_tile_overlayer_lowered:
.L_overlay_start_2:
0x6a: {  	(tag) =	ssettag $0x2  }
0x6b: {  	s0 =	rddreg [dreg:$0x0];
	s2 =	stileid.u32  }
0x6c: {  	s1 =	rddreg [dreg:$0x1];
	p0 =	sne.s32 s2, $0x0  }
0x6d: {  	s3 =	rddreg [dreg:$0x2];
	[bflag:$0x3] =	sbarrier.arrive $0xFFFF;
	s2 =	simm.s32 @!p0 $0x1C01  }
0x6e: {  	[timem:s3], [sflag:s2] =	dma.local @!p0 [hbm:s0], s1  }
0x6f: {  	s0 =	simm.s32 @!p0 $0x1  }
0x70: {  	_ =	swait.ge @!p0 [sflag:s0], s1  }
0x71: {  	s1 =	ssub.s32 @!p0 $0x0, s1;
	[sflag:s0] =	ssyncset.done @!p0 $0x0  }
0x72: {  	[sflag:s0] =	ssyncadd.s32 @!p0 s1  }
0x73: {  	[bflag:$0x3] =	sbarrier.arrive $0xFFFF  }
0x74: {  	_ =	shalt  }

</sc_bundles>
